<compile_context>
chip_gen: v7x
topology: tpu7x:2x2x1
jax: 0.10.2.dev20260603
libtpu: 0.0.44.dev20260713+nightly
codegen_flags: <defaults>
</compile_context>

<pallas_src>
import functools

import jax
import jax.numpy as jnp
from jax import lax
from jax.experimental import pallas as pl
from jax.experimental.pallas import tpu as pltpu
from jax.experimental.pallas import tpu_sc as plsc

_TEMP = 0.07
_INV_TEMP = 1.0 / _TEMP
_N_DATA = 100000
_N_NEG = 4096
_FEAT = 128
_LANES = 16
_NW = 32

_CTILE = 2048
_NTILE = 100000 // _CTILE + 1
_PACKW = _NTILE * (_CTILE // 2)


def _row_normalize(x):
    n = jnp.sqrt(jnp.sum(x * x, axis=1, keepdims=True))
    return x / jnp.maximum(n, 1e-12)


def _zmat_body(sf_ref, mb_ref, zp_ref):
    sn = _row_normalize(sf_ref[...]).astype(jnp.bfloat16)
    m = mb_ref[...].astype(jnp.bfloat16)
    z = lax.dot_general(
        sn, m, (((1,), (1,)), ((), ())), preferred_element_type=jnp.float32
    )
    half = _CTILE // 2
    za = z[:, :half].astype(jnp.bfloat16).astype(jnp.float32)
    zb = z[:, half:].astype(jnp.bfloat16).astype(jnp.float32)
    ua = lax.shift_right_logical(
        lax.bitcast_convert_type(za, jnp.uint32), jnp.uint32(16)
    )
    ub = lax.bitcast_convert_type(zb, jnp.uint32) & jnp.uint32(0xFFFF0000)
    zp_ref[...] = lax.bitcast_convert_type(ub | ua, jnp.int32)


def _compute_zp(sf, mb):
    batch = sf.shape[0]
    return pl.pallas_call(
        _zmat_body,
        grid=(_NTILE,),
        in_specs=[
            pl.BlockSpec((batch, _FEAT), lambda j: (0, 0)),
            pl.BlockSpec((_CTILE, _FEAT), lambda j: (j, 0)),
        ],
        out_specs=pl.BlockSpec((batch, _CTILE // 2), lambda j: (0, j)),
        out_shape=jax.ShapeDtypeStruct((batch, _PACKW), jnp.int32),
    )(sf, mb)


def _sc_neg_expsum(zp, r, indices):
    batch = r.shape[0]
    rows_per = batch // _NW
    mesh = plsc.VectorSubcoreMesh(core_axis_name="c", subcore_axis_name="s")

    @functools.partial(
        pl.kernel,
        out_type=jax.ShapeDtypeStruct((batch, _LANES), jnp.float32),
        mesh=mesh,
        scratch_types=[
            pltpu.VMEM((_PACKW,), jnp.int32),
            pltpu.VMEM((_PACKW,), jnp.int32),
            pltpu.VMEM((_N_NEG,), jnp.int32),
            pltpu.VMEM((_N_NEG,), jnp.int32),
            pltpu.VMEM((rows_per,), jnp.int32),
            pltpu.VMEM((rows_per, _LANES), jnp.float32),
            pltpu.SemaphoreType.DMA,
            pltpu.SemaphoreType.DMA,
        ],
        compiler_params=pltpu.CompilerParams(needs_layout_passes=False),
    )
    def k(zp_hbm, r_hbm, pos_hbm, out_hbm,
          z0, z1, ix0, ix1, posbuf, outbuf, sem_a, sem_b):
        wid = lax.axis_index("s") * 2 + lax.axis_index("c")
        base = wid * rows_per
        pltpu.sync_copy(pos_hbm.at[pl.ds(base, rows_per)], posbuf)

        def start(b, zbuf, ibuf, sem):
            pltpu.async_copy(zp_hbm.at[b], zbuf, sem)
            pltpu.async_copy(r_hbm.at[b], ibuf, sem)

        def wait(b, zbuf, ibuf, sem):
            pltpu.make_async_copy(zp_hbm.at[b], zbuf, sem).wait()
            pltpu.make_async_copy(r_hbm.at[b], ibuf, sem).wait()

        def proc(row_i, zbuf, ibuf):
            pos16 = plsc.load_gather(
                posbuf, [jnp.full((_LANES,), row_i, jnp.int32)]
            )
            zero = jnp.zeros((_LANES,), jnp.float32)

            @plsc.parallel_loop(0, _N_NEG // _LANES, step=4,
                                carry=(zero, zero, zero, zero))
            def accs(g, carry):
                out = []
                for u in range(4):
                    rv = ibuf[pl.ds((g + u) * _LANES, _LANES)]
                    i = jnp.where(rv >= pos16, rv + 1, rv)
                    w = lax.shift_left(
                        lax.shift_right_logical(i, jnp.int32(11)),
                        jnp.int32(10),
                    ) | (i & jnp.int32(1023))
                    g16 = plsc.load_gather(zbuf, [w])
                    use_hi = (i & jnp.int32(1024)) > 0
                    bits = jnp.where(
                        use_hi,
                        g16 & jnp.int32(-65536),
                        lax.shift_left(g16, jnp.int32(16)),
                    )
                    zv = plsc.bitcast(bits, jnp.float32)
                    out.append(carry[u] + jnp.exp(zv * _INV_TEMP))
                return tuple(out)

            outbuf[row_i] = accs[0] + accs[1] + accs[2] + accs[3]

        start(base + 0, z0, ix0, sem_a)
        start(base + 1, z1, ix1, sem_b)

        def loop_body(g, carry):
            b0 = base + 2 * g
            wait(b0, z0, ix0, sem_a)
            proc(2 * g, z0, ix0)

            @pl.when(g < rows_per // 2 - 1)
            def _():
                start(b0 + 2, z0, ix0, sem_a)

            wait(b0 + 1, z1, ix1, sem_b)
            proc(2 * g + 1, z1, ix1)

            @pl.when(g < rows_per // 2 - 1)
            def _():
                start(b0 + 3, z1, ix1, sem_b)

            return carry

        lax.fori_loop(0, rows_per // 2, loop_body, jnp.int32(0))
        pltpu.sync_copy(outbuf, out_hbm.at[pl.ds(base, rows_per)])

    return k(zp, r, indices)


def _loss_body(sf_ref, tf_ref, ns_ref, out_ref):
    sn = _row_normalize(sf_ref[...])
    tn = _row_normalize(tf_ref[...])
    pos = jnp.sum(sn * tn, axis=1, keepdims=True) * _INV_TEMP
    negsum = jnp.sum(ns_ref[...], axis=1, keepdims=True)
    lse = jnp.log(jnp.exp(pos) + negsum)
    out_ref[...] = jnp.broadcast_to(jnp.mean(lse - pos), (1, 1))


def _loss(sf, tf, ns16):
    batch = sf.shape[0]
    return pl.pallas_call(
        _loss_body,
        in_specs=[
            pl.BlockSpec((batch, _FEAT), lambda: (0, 0)),
            pl.BlockSpec((batch, _FEAT), lambda: (0, 0)),
            pl.BlockSpec((batch, _LANES), lambda: (0, 0)),
        ],
        out_specs=pl.BlockSpec((1, 1), lambda: (0, 0)),
        out_shape=jax.ShapeDtypeStruct((1, 1), jnp.float32),
    )(sf, tf, ns16)


def kernel(student_feat, teacher_feat, indices, memory_bank):
    batch = student_feat.shape[0]
    r = jax.random.randint(
        jax.random.key(1234), (batch, _N_NEG), 0, _N_DATA - 1, dtype=jnp.int32
    )
    zp = _compute_zp(student_feat, memory_bank)
    ns16 = _sc_neg_expsum(zp, r, indices)
    return _loss(student_feat, teacher_feat, ns16).reshape(())

# --- scband reference (transcript-rebuilt; emitter-appended) ---
"""Pipeline reference for scband-crd-2576980377945 (READ-ONLY COPY).

The authoritative reference and input builder live on the scoring server;
editing this copy changes nothing except your own understanding.
"""

import jax, jax.numpy as jnp
import numpy as np

N_DATA = 100000
FEAT_DIM = 128
N_NEG = 4096
BATCH = 1024
TEMP = 0.07
MOMENTUM = 0.5


def _normalize(x, axis):
    n = jnp.linalg.norm(x, axis=axis, keepdims=True)
    return x / jnp.maximum(n, 1e-12)


def setup_inputs(seed: int = 0) -> dict:
    key = jax.random.key(seed)
    k1, k2, k3, k4 = jax.random.split(key, 4)
    student_feat = jax.random.normal(k1, (BATCH, FEAT_DIM), dtype=jnp.float32)
    teacher_feat = jax.random.normal(k2, (BATCH, FEAT_DIM), dtype=jnp.float32)
    indices = jax.random.randint(k3, (BATCH,), 0, N_DATA, dtype=jnp.int32)
    memory_bank = _normalize(jax.random.normal(k4, (N_DATA, FEAT_DIM), dtype=jnp.float32), 1)
    return {"student_feat": student_feat, "teacher_feat": teacher_feat, "indices": indices, "memory_bank": memory_bank}


def reference(student_feat, teacher_feat, indices, memory_bank):
    sf = _normalize(student_feat, 1)
    tf = _normalize(teacher_feat, 1)
    pos_logits = jnp.sum(sf * tf, axis=1, keepdims=True) / TEMP
    B = indices.shape[0]
    r = jax.random.randint(jax.random.key(1234), (B, N_NEG), 0, N_DATA - 1, dtype=jnp.int32)
    neg_indices = r + (r >= indices[:, None]).astype(jnp.int32)
    neg_feat = jnp.take(memory_bank, neg_indices, axis=0)
    neg_feat = _normalize(neg_feat, 2)
    neg_logits = jnp.einsum('bkd,bd->bk', neg_feat, sf) / TEMP
    logits = jnp.concatenate([pos_logits, neg_logits], axis=1)
    lse = jax.scipy.special.logsumexp(logits, axis=1)
    loss = jnp.mean(lse - logits[:, 0])
    return loss

if __name__ == "__main__":
    import jax
    _d = setup_inputs()
    print(jax.jit(kernel)(*tuple(_d.values())))

</pallas_src>

<mosaic_0001>
#map = affine_map<(d0, d1) -> (0, 0)>
#map1 = affine_map<(d0, d1) -> (0)>
module attributes {stable_mosaic.version = 14 : i64} {
  func.func @k(%arg0: i32, %arg1: i32, %arg2: memref<1024x50176xi32, #tpu.memory_space<hbm>>, %arg3: memref<1024x4096xi32, #tpu.memory_space<hbm>>, %arg4: memref<1024xi32, #tpu.memory_space<hbm>>, %arg5: memref<1024x16xf32, #tpu.memory_space<hbm>>, %arg6: memref<50176xi32, #tpu.memory_space<vmem>>, %arg7: memref<50176xi32, #tpu.memory_space<vmem>>, %arg8: memref<4096xi32, #tpu.memory_space<vmem>>, %arg9: memref<4096xi32, #tpu.memory_space<vmem>>, %arg10: memref<32xi32, #tpu.memory_space<vmem>>, %arg11: memref<32x16xf32, #tpu.memory_space<vmem>>, %arg12: memref<!tpu.dma_semaphore, #tpu.memory_space<semaphore_mem>>, %arg13: memref<!tpu.dma_semaphore, #tpu.memory_space<semaphore_mem>>) attributes {dimension_semantics = [#tpu.dimension_semantics<core_parallel>, #tpu.dimension_semantics<subcore_parallel>], iteration_bounds = array<i64: 2, 16>, scalar_prefetch = 0 : i64, scratch_operands = 8 : i64, tpu.core_type = #tpu.core_type<sc_vector_subcore>, window_params = [{transform_indices = #map}, {transform_indices = #map}, {transform_indices = #map1}, {transform_indices = #map}]} {
    %mul3A = arith.constant 2 : i32
    %mul3A_0 = arith.muli %arg1, %mul3A : i32
    %add3A = arith.addi %mul3A_0, %arg0 : i32
    %mul3A_1 = arith.constant 32 : i32
    %mul3A_2 = arith.muli %add3A, %mul3A_1 : i32
    "tpu.region"() ({
      %run_scoped3A = tpu.sem_alloc : memref<!tpu.dma_semaphore, #tpu.memory_space<semaphore_mem>>
      %dma_start3A_35 = tpu.memref_slice %arg4[%mul3A_2] : memref<1024xi32, #tpu.memory_space<hbm>> -> memref<32xi32, #tpu.memory_space<hbm>>
      %dma_start3A_36 = tpu.memref_slice %arg4[%mul3A_2] : memref<1024xi32, #tpu.memory_space<hbm>> -> memref<32xi32, #tpu.memory_space<hbm>>
      tpu.enqueue_dma source(%dma_start3A_36 : memref<32xi32, #tpu.memory_space<hbm>>) target(%arg10 : memref<32xi32, #tpu.memory_space<vmem>>) target_semaphore(%run_scoped3A : memref<!tpu.dma_semaphore, #tpu.memory_space<semaphore_mem>>)
      %dma_wait3A = tpu.memref_slice %arg4[%mul3A_2] : memref<1024xi32, #tpu.memory_space<hbm>> -> memref<32xi32, #tpu.memory_space<hbm>>
      %dma_wait3A_37 = tpu.memref_slice %arg4[%mul3A_2] : memref<1024xi32, #tpu.memory_space<hbm>> -> memref<32xi32, #tpu.memory_space<hbm>>
      tpu.wait_dma2 semaphore(%run_scoped3A : memref<!tpu.dma_semaphore, #tpu.memory_space<semaphore_mem>>) src(%dma_wait3A_37 : memref<32xi32, #tpu.memory_space<hbm>>) dst(%arg10 : memref<32xi32, #tpu.memory_space<vmem>>)
      tpu.yield
    }) : () -> ()
    %add3A_3 = arith.constant 0 : i32
    %add3A_4 = arith.addi %mul3A_2, %add3A_3 : i32
    %dma_start3A = arith.constant 0 : i32
    %dma_start3A_5 = tpu.memref_slice %arg2[%add3A_4, %dma_start3A] : memref<1024x50176xi32, #tpu.memory_space<hbm>> -> memref<1x50176xi32, #tpu.memory_space<hbm>>
    %dma_start3A_6 = tpu.memref_squeeze %dma_start3A_5 : memref<1x50176xi32, #tpu.memory_space<hbm>> -> memref<50176xi32, #tpu.memory_space<hbm>>
    %dma_start3A_7 = arith.constant 0 : i32
    %dma_start3A_8 = tpu.memref_slice %arg2[%add3A_4, %dma_start3A_7] : memref<1024x50176xi32, #tpu.memory_space<hbm>> -> memref<1x50176xi32, #tpu.memory_space<hbm>>
    %dma_start3A_9 = tpu.memref_squeeze %dma_start3A_8 : memref<1x50176xi32, #tpu.memory_space<hbm>> -> memref<50176xi32, #tpu.memory_space<hbm>>
    tpu.enqueue_dma source(%dma_start3A_9 : memref<50176xi32, #tpu.memory_space<hbm>>) target(%arg6 : memref<50176xi32, #tpu.memory_space<vmem>>) target_semaphore(%arg12 : memref<!tpu.dma_semaphore, #tpu.memory_space<semaphore_mem>>)
    %dma_start3A_10 = arith.constant 0 : i32
    %dma_start3A_11 = tpu.memref_slice %arg3[%add3A_4, %dma_start3A_10] : memref<1024x4096xi32, #tpu.memory_space<hbm>> -> memref<1x4096xi32, #tpu.memory_space<hbm>>
    %dma_start3A_12 = tpu.memref_squeeze %dma_start3A_11 : memref<1x4096xi32, #tpu.memory_space<hbm>> -> memref<4096xi32, #tpu.memory_space<hbm>>
    %dma_start3A_13 = arith.constant 0 : i32
    %dma_start3A_14 = tpu.memref_slice %arg3[%add3A_4, %dma_start3A_13] : memref<1024x4096xi32, #tpu.memory_space<hbm>> -> memref<1x4096xi32, #tpu.memory_space<hbm>>
    %dma_start3A_15 = tpu.memref_squeeze %dma_start3A_14 : memref<1x4096xi32, #tpu.memory_space<hbm>> -> memref<4096xi32, #tpu.memory_space<hbm>>
    tpu.enqueue_dma source(%dma_start3A_15 : memref<4096xi32, #tpu.memory_space<hbm>>) target(%arg8 : memref<4096xi32, #tpu.memory_space<vmem>>) target_semaphore(%arg12 : memref<!tpu.dma_semaphore, #tpu.memory_space<semaphore_mem>>)
    %add3A_16 = arith.constant 1 : i32
    %add3A_17 = arith.addi %mul3A_2, %add3A_16 : i32
    %dma_start3A_18 = arith.constant 0 : i32
    %dma_start3A_19 = tpu.memref_slice %arg2[%add3A_17, %dma_start3A_18] : memref<1024x50176xi32, #tpu.memory_space<hbm>> -> memref<1x50176xi32, #tpu.memory_space<hbm>>
    %dma_start3A_20 = tpu.memref_squeeze %dma_start3A_19 : memref<1x50176xi32, #tpu.memory_space<hbm>> -> memref<50176xi32, #tpu.memory_space<hbm>>
    %dma_start3A_21 = arith.constant 0 : i32
    %dma_start3A_22 = tpu.memref_slice %arg2[%add3A_17, %dma_start3A_21] : memref<1024x50176xi32, #tpu.memory_space<hbm>> -> memref<1x50176xi32, #tpu.memory_space<hbm>>
    %dma_start3A_23 = tpu.memref_squeeze %dma_start3A_22 : memref<1x50176xi32, #tpu.memory_space<hbm>> -> memref<50176xi32, #tpu.memory_space<hbm>>
    tpu.enqueue_dma source(%dma_start3A_23 : memref<50176xi32, #tpu.memory_space<hbm>>) target(%arg7 : memref<50176xi32, #tpu.memory_space<vmem>>) target_semaphore(%arg13 : memref<!tpu.dma_semaphore, #tpu.memory_space<semaphore_mem>>)
    %dma_start3A_24 = arith.constant 0 : i32
    %dma_start3A_25 = tpu.memref_slice %arg3[%add3A_17, %dma_start3A_24] : memref<1024x4096xi32, #tpu.memory_space<hbm>> -> memref<1x4096xi32, #tpu.memory_space<hbm>>
    %dma_start3A_26 = tpu.memref_squeeze %dma_start3A_25 : memref<1x4096xi32, #tpu.memory_space<hbm>> -> memref<4096xi32, #tpu.memory_space<hbm>>
    %dma_start3A_27 = arith.constant 0 : i32
    %dma_start3A_28 = tpu.memref_slice %arg3[%add3A_17, %dma_start3A_27] : memref<1024x4096xi32, #tpu.memory_space<hbm>> -> memref<1x4096xi32, #tpu.memory_space<hbm>>
    %dma_start3A_29 = tpu.memref_squeeze %dma_start3A_28 : memref<1x4096xi32, #tpu.memory_space<hbm>> -> memref<4096xi32, #tpu.memory_space<hbm>>
    tpu.enqueue_dma source(%dma_start3A_29 : memref<4096xi32, #tpu.memory_space<hbm>>) target(%arg9 : memref<4096xi32, #tpu.memory_space<vmem>>) target_semaphore(%arg13 : memref<!tpu.dma_semaphore, #tpu.memory_space<semaphore_mem>>)
    %scan3A = arith.constant 0 : i32
    %scan3A_30 = arith.constant 0 : i32
    %scan3A_31 = arith.constant 16 : i32
    %scan3A_32 = arith.addi %scan3A_30, %scan3A_31 : i32
    %scan3A_33 = arith.constant 1 : i32
    scf.for %scan3A_35 = %scan3A_30 to %scan3A_32 step %scan3A_33  : i32 {
      %mul3A_36 = arith.constant 2 : i32
      %mul3A_37 = arith.muli %mul3A_36, %scan3A_35 : i32
      %add3A_38 = arith.addi %mul3A_2, %mul3A_37 : i32
      %dma_wait3A = arith.constant 0 : i32
      %dma_wait3A_39 = tpu.memref_slice %arg2[%add3A_38, %dma_wait3A] : memref<1024x50176xi32, #tpu.memory_space<hbm>> -> memref<1x50176xi32, #tpu.memory_space<hbm>>
      %dma_wait3A_40 = tpu.memref_squeeze %dma_wait3A_39 : memref<1x50176xi32, #tpu.memory_space<hbm>> -> memref<50176xi32, #tpu.memory_space<hbm>>
      %dma_wait3A_41 = arith.constant 0 : i32
      %dma_wait3A_42 = tpu.memref_slice %arg2[%add3A_38, %dma_wait3A_41] : memref<1024x50176xi32, #tpu.memory_space<hbm>> -> memref<1x50176xi32, #tpu.memory_space<hbm>>
      %dma_wait3A_43 = tpu.memref_squeeze %dma_wait3A_42 : memref<1x50176xi32, #tpu.memory_space<hbm>> -> memref<50176xi32, #tpu.memory_space<hbm>>
      tpu.wait_dma2 semaphore(%arg12 : memref<!tpu.dma_semaphore, #tpu.memory_space<semaphore_mem>>) src(%dma_wait3A_43 : memref<50176xi32, #tpu.memory_space<hbm>>) dst(%arg6 : memref<50176xi32, #tpu.memory_space<vmem>>)
      %dma_wait3A_44 = arith.constant 0 : i32
      %dma_wait3A_45 = tpu.memref_slice %arg3[%add3A_38, %dma_wait3A_44] : memref<1024x4096xi32, #tpu.memory_space<hbm>> -> memref<1x4096xi32, #tpu.memory_space<hbm>>
      %dma_wait3A_46 = tpu.memref_squeeze %dma_wait3A_45 : memref<1x4096xi32, #tpu.memory_space<hbm>> -> memref<4096xi32, #tpu.memory_space<hbm>>
      %dma_wait3A_47 = arith.constant 0 : i32
      %dma_wait3A_48 = tpu.memref_slice %arg3[%add3A_38, %dma_wait3A_47] : memref<1024x4096xi32, #tpu.memory_space<hbm>> -> memref<1x4096xi32, #tpu.memory_space<hbm>>
      %dma_wait3A_49 = tpu.memref_squeeze %dma_wait3A_48 : memref<1x4096xi32, #tpu.memory_space<hbm>> -> memref<4096xi32, #tpu.memory_space<hbm>>
      tpu.wait_dma2 semaphore(%arg12 : memref<!tpu.dma_semaphore, #tpu.memory_space<semaphore_mem>>) src(%dma_wait3A_49 : memref<4096xi32, #tpu.memory_space<hbm>>) dst(%arg8 : memref<4096xi32, #tpu.memory_space<vmem>>)
      %mul3A_50 = arith.constant 2 : i32
      %mul3A_51 = arith.muli %mul3A_50, %scan3A_35 : i32
      %broadcast_in_dim3A = vector.broadcast %mul3A_51 : i32 to vector<16xi32>
      %gather3A = tpu.vector_load_idx %arg10[%broadcast_in_dim3A] : memref<32xi32, #tpu.memory_space<vmem>>[vector<16xi32>], vector<16xi32>,
      %broadcast_in_dim3A_52 = arith.constant 0.000000e+00 : f32
      %broadcast_in_dim3A_53 = vector.broadcast %broadcast_in_dim3A_52 : f32 to vector<16xf32>
      %parallel_loop3A = arith.constant 0 : i32
      %parallel_loop3A_54 = arith.constant 256 : i32
      %parallel_loop3A_55 = arith.constant 4 : i32
      %parallel_loop3A_56:4 = scf.for %parallel_loop3A_101 = %parallel_loop3A to %parallel_loop3A_54 step %parallel_loop3A_55 iter_args(%parallel_loop3A_102 = %broadcast_in_dim3A_53, %parallel_loop3A_103 = %broadcast_in_dim3A_53, %parallel_loop3A_104 = %broadcast_in_dim3A_53, %parallel_loop3A_105 = %broadcast_in_dim3A_53) -> (vector<16xf32>, vector<16xf32>, vector<16xf32>, vector<16xf32>)  : i32 {
        %parallel_loop3A_106 = arith.constant 0 : i32
        %parallel_loop3A_107 = arith.addi %parallel_loop3A_101, %parallel_loop3A_106 : i32
        %parallel_loop3A_108 = arith.constant 16 : i32
        %parallel_loop3A_109 = arith.muli %parallel_loop3A_107, %parallel_loop3A_108 : i32
        %parallel_loop3A_110 = arith.index_cast %parallel_loop3A_109 : i32 to index
        %parallel_loop3A_111 = tpu.vector_load %arg8[%parallel_loop3A_110] {strides = array<i32>} : memref<4096xi32, #tpu.memory_space<vmem>>, vector<16xi32>,
        %parallel_loop3A_112 = arith.cmpi sge, %parallel_loop3A_111, %gather3A : vector<16xi32>
        %parallel_loop3A_113 = arith.constant 1 : i32
        %parallel_loop3A_114 = vector.broadcast %parallel_loop3A_113 : i32 to vector<16xi32>
        %parallel_loop3A_115 = arith.addi %parallel_loop3A_111, %parallel_loop3A_114 : vector<16xi32>
        %parallel_loop3A_116 = arith.select %parallel_loop3A_112, %parallel_loop3A_115, %parallel_loop3A_111 : vector<16xi1>, vector<16xi32>
        %parallel_loop3A_117 = arith.constant 11 : i32
        %parallel_loop3A_118 = vector.broadcast %parallel_loop3A_117 : i32 to vector<16xi32>
        %parallel_loop3A_119 = arith.shrui %parallel_loop3A_116, %parallel_loop3A_118 : vector<16xi32>
        %parallel_loop3A_120 = arith.constant 10 : i32
        %parallel_loop3A_121 = vector.broadcast %parallel_loop3A_120 : i32 to vector<16xi32>
        %parallel_loop3A_122 = arith.shli %parallel_loop3A_119, %parallel_loop3A_121 : vector<16xi32>
        %parallel_loop3A_123 = arith.constant 1023 : i32
        %parallel_loop3A_124 = vector.broadcast %parallel_loop3A_123 : i32 to vector<16xi32>
        %parallel_loop3A_125 = arith.andi %parallel_loop3A_116, %parallel_loop3A_124 : vector<16xi32>
        %parallel_loop3A_126 = arith.ori %parallel_loop3A_122, %parallel_loop3A_125 : vector<16xi32>
        %parallel_loop3A_127 = tpu.vector_load_idx %arg6[%parallel_loop3A_126] : memref<50176xi32, #tpu.memory_space<vmem>>[vector<16xi32>], vector<16xi32>,
        %parallel_loop3A_128 = arith.constant 1024 : i32
        %parallel_loop3A_129 = vector.broadcast %parallel_loop3A_128 : i32 to vector<16xi32>
        %parallel_loop3A_130 = arith.andi %parallel_loop3A_116, %parallel_loop3A_129 : vector<16xi32>
        %parallel_loop3A_131 = arith.constant 0 : i32
        %parallel_loop3A_132 = vector.broadcast %parallel_loop3A_131 : i32 to vector<16xi32>
        %parallel_loop3A_133 = arith.cmpi sgt, %parallel_loop3A_130, %parallel_loop3A_132 : vector<16xi32>
        %parallel_loop3A_134 = arith.constant -65536 : i32
        %parallel_loop3A_135 = vector.broadcast %parallel_loop3A_134 : i32 to vector<16xi32>
        %parallel_loop3A_136 = arith.andi %parallel_loop3A_127, %parallel_loop3A_135 : vector<16xi32>
        %parallel_loop3A_137 = arith.constant 16 : i32
        %parallel_loop3A_138 = vector.broadcast %parallel_loop3A_137 : i32 to vector<16xi32>
        %parallel_loop3A_139 = arith.shli %parallel_loop3A_127, %parallel_loop3A_138 : vector<16xi32>
        %parallel_loop3A_140 = arith.select %parallel_loop3A_133, %parallel_loop3A_136, %parallel_loop3A_139 : vector<16xi1>, vector<16xi32>
        %parallel_loop3A_141 = vector.bitcast %parallel_loop3A_140 : vector<16xi32> to vector<16xf32>
        %parallel_loop3A_142 = arith.constant 14.2857141 : f32
        %parallel_loop3A_143 = vector.broadcast %parallel_loop3A_142 : f32 to vector<16xf32>
        %parallel_loop3A_144 = arith.mulf %parallel_loop3A_141, %parallel_loop3A_143 : vector<16xf32>
        %parallel_loop3A_145 = math.exp %parallel_loop3A_144 : vector<16xf32>
        %parallel_loop3A_146 = arith.addf %parallel_loop3A_102, %parallel_loop3A_145 : vector<16xf32>
        %parallel_loop3A_147 = arith.constant 1 : i32
        %parallel_loop3A_148 = arith.addi %parallel_loop3A_101, %parallel_loop3A_147 : i32
        %parallel_loop3A_149 = arith.constant 16 : i32
        %parallel_loop3A_150 = arith.muli %parallel_loop3A_148, %parallel_loop3A_149 : i32
        %parallel_loop3A_151 = arith.index_cast %parallel_loop3A_150 : i32 to index
        %parallel_loop3A_152 = tpu.vector_load %arg8[%parallel_loop3A_151] {strides = array<i32>} : memref<4096xi32, #tpu.memory_space<vmem>>, vector<16xi32>,
        %parallel_loop3A_153 = arith.cmpi sge, %parallel_loop3A_152, %gather3A : vector<16xi32>
        %parallel_loop3A_154 = arith.constant 1 : i32
        %parallel_loop3A_155 = vector.broadcast %parallel_loop3A_154 : i32 to vector<16xi32>
        %parallel_loop3A_156 = arith.addi %parallel_loop3A_152, %parallel_loop3A_155 : vector<16xi32>
        %parallel_loop3A_157 = arith.select %parallel_loop3A_153, %parallel_loop3A_156, %parallel_loop3A_152 : vector<16xi1>, vector<16xi32>
        %parallel_loop3A_158 = arith.constant 11 : i32
        %parallel_loop3A_159 = vector.broadcast %parallel_loop3A_158 : i32 to vector<16xi32>
        %parallel_loop3A_160 = arith.shrui %parallel_loop3A_157, %parallel_loop3A_159 : vector<16xi32>
        %parallel_loop3A_161 = arith.constant 10 : i32
        %parallel_loop3A_162 = vector.broadcast %parallel_loop3A_161 : i32 to vector<16xi32>
        %parallel_loop3A_163 = arith.shli %parallel_loop3A_160, %parallel_loop3A_162 : vector<16xi32>
        %parallel_loop3A_164 = arith.constant 1023 : i32
        %parallel_loop3A_165 = vector.broadcast %parallel_loop3A_164 : i32 to vector<16xi32>
        %parallel_loop3A_166 = arith.andi %parallel_loop3A_157, %parallel_loop3A_165 : vector<16xi32>
        %parallel_loop3A_167 = arith.ori %parallel_loop3A_163, %parallel_loop3A_166 : vector<16xi32>
        %parallel_loop3A_168 = tpu.vector_load_idx %arg6[%parallel_loop3A_167] : memref<50176xi32, #tpu.memory_space<vmem>>[vector<16xi32>], vector<16xi32>,
        %parallel_loop3A_169 = arith.constant 1024 : i32
        %parallel_loop3A_170 = vector.broadcast %parallel_loop3A_169 : i32 to vector<16xi32>
        %parallel_loop3A_171 = arith.andi %parallel_loop3A_157, %parallel_loop3A_170 : vector<16xi32>
        %parallel_loop3A_172 = arith.constant 0 : i32
        %parallel_loop3A_173 = vector.broadcast %parallel_loop3A_172 : i32 to vector<16xi32>
        %parallel_loop3A_174 = arith.cmpi sgt, %parallel_loop3A_171, %parallel_loop3A_173 : vector<16xi32>
        %parallel_loop3A_175 = arith.constant -65536 : i32
        %parallel_loop3A_176 = vector.broadcast %parallel_loop3A_175 : i32 to vector<16xi32>
        %parallel_loop3A_177 = arith.andi %parallel_loop3A_168, %parallel_loop3A_176 : vector<16xi32>
        %parallel_loop3A_178 = arith.constant 16 : i32
        %parallel_loop3A_179 = vector.broadcast %parallel_loop3A_178 : i32 to vector<16xi32>
        %parallel_loop3A_180 = arith.shli %parallel_loop3A_168, %parallel_loop3A_179 : vector<16xi32>
        %parallel_loop3A_181 = arith.select %parallel_loop3A_174, %parallel_loop3A_177, %parallel_loop3A_180 : vector<16xi1>, vector<16xi32>
        %parallel_loop3A_182 = vector.bitcast %parallel_loop3A_181 : vector<16xi32> to vector<16xf32>
        %parallel_loop3A_183 = arith.constant 14.2857141 : f32
        %parallel_loop3A_184 = vector.broadcast %parallel_loop3A_183 : f32 to vector<16xf32>
        %parallel_loop3A_185 = arith.mulf %parallel_loop3A_182, %parallel_loop3A_184 : vector<16xf32>
        %parallel_loop3A_186 = math.exp %parallel_loop3A_185 : vector<16xf32>
        %parallel_loop3A_187 = arith.addf %parallel_loop3A_103, %parallel_loop3A_186 : vector<16xf32>
        %parallel_loop3A_188 = arith.constant 2 : i32
        %parallel_loop3A_189 = arith.addi %parallel_loop3A_101, %parallel_loop3A_188 : i32
        %parallel_loop3A_190 = arith.constant 16 : i32
        %parallel_loop3A_191 = arith.muli %parallel_loop3A_189, %parallel_loop3A_190 : i32
        %parallel_loop3A_192 = arith.index_cast %parallel_loop3A_191 : i32 to index
        %parallel_loop3A_193 = tpu.vector_load %arg8[%parallel_loop3A_192] {strides = array<i32>} : memref<4096xi32, #tpu.memory_space<vmem>>, vector<16xi32>,
        %parallel_loop3A_194 = arith.cmpi sge, %parallel_loop3A_193, %gather3A : vector<16xi32>
        %parallel_loop3A_195 = arith.constant 1 : i32
        %parallel_loop3A_196 = vector.broadcast %parallel_loop3A_195 : i32 to vector<16xi32>
        %parallel_loop3A_197 = arith.addi %parallel_loop3A_193, %parallel_loop3A_196 : vector<16xi32>
        %parallel_loop3A_198 = arith.select %parallel_loop3A_194, %parallel_loop3A_197, %parallel_loop3A_193 : vector<16xi1>, vector<16xi32>
        %parallel_loop3A_199 = arith.constant 11 : i32
        %parallel_loop3A_200 = vector.broadcast %parallel_loop3A_199 : i32 to vector<16xi32>
        %parallel_loop3A_201 = arith.shrui %parallel_loop3A_198, %parallel_loop3A_200 : vector<16xi32>
        %parallel_loop3A_202 = arith.constant 10 : i32
        %parallel_loop3A_203 = vector.broadcast %parallel_loop3A_202 : i32 to vector<16xi32>
        %parallel_loop3A_204 = arith.shli %parallel_loop3A_201, %parallel_loop3A_203 : vector<16xi32>
        %parallel_loop3A_205 = arith.constant 1023 : i32
        %parallel_loop3A_206 = vector.broadcast %parallel_loop3A_205 : i32 to vector<16xi32>
        %parallel_loop3A_207 = arith.andi %parallel_loop3A_198, %parallel_loop3A_206 : vector<16xi32>
        %parallel_loop3A_208 = arith.ori %parallel_loop3A_204, %parallel_loop3A_207 : vector<16xi32>
        %parallel_loop3A_209 = tpu.vector_load_idx %arg6[%parallel_loop3A_208] : memref<50176xi32, #tpu.memory_space<vmem>>[vector<16xi32>], vector<16xi32>,
        %parallel_loop3A_210 = arith.constant 1024 : i32
        %parallel_loop3A_211 = vector.broadcast %parallel_loop3A_210 : i32 to vector<16xi32>
        %parallel_loop3A_212 = arith.andi %parallel_loop3A_198, %parallel_loop3A_211 : vector<16xi32>
        %parallel_loop3A_213 = arith.constant 0 : i32
        %parallel_loop3A_214 = vector.broadcast %parallel_loop3A_213 : i32 to vector<16xi32>
        %parallel_loop3A_215 = arith.cmpi sgt, %parallel_loop3A_212, %parallel_loop3A_214 : vector<16xi32>
        %parallel_loop3A_216 = arith.constant -65536 : i32
        %parallel_loop3A_217 = vector.broadcast %parallel_loop3A_216 : i32 to vector<16xi32>
        %parallel_loop3A_218 = arith.andi %parallel_loop3A_209, %parallel_loop3A_217 : vector<16xi32>
        %parallel_loop3A_219 = arith.constant 16 : i32
        %parallel_loop3A_220 = vector.broadcast %parallel_loop3A_219 : i32 to vector<16xi32>
        %parallel_loop3A_221 = arith.shli %parallel_loop3A_209, %parallel_loop3A_220 : vector<16xi32>
        %parallel_loop3A_222 = arith.select %parallel_loop3A_215, %parallel_loop3A_218, %parallel_loop3A_221 : vector<16xi1>, vector<16xi32>
        %parallel_loop3A_223 = vector.bitcast %parallel_loop3A_222 : vector<16xi32> to vector<16xf32>
        %parallel_loop3A_224 = arith.constant 14.2857141 : f32
        %parallel_loop3A_225 = vector.broadcast %parallel_loop3A_224 : f32 to vector<16xf32>
        %parallel_loop3A_226 = arith.mulf %parallel_loop3A_223, %parallel_loop3A_225 : vector<16xf32>
        %parallel_loop3A_227 = math.exp %parallel_loop3A_226 : vector<16xf32>
        %parallel_loop3A_228 = arith.addf %parallel_loop3A_104, %parallel_loop3A_227 : vector<16xf32>
        %parallel_loop3A_229 = arith.constant 3 : i32
        %parallel_loop3A_230 = arith.addi %parallel_loop3A_101, %parallel_loop3A_229 : i32
        %parallel_loop3A_231 = arith.constant 16 : i32
        %parallel_loop3A_232 = arith.muli %parallel_loop3A_230, %parallel_loop3A_231 : i32
        %parallel_loop3A_233 = arith.index_cast %parallel_loop3A_232 : i32 to index
        %parallel_loop3A_234 = tpu.vector_load %arg8[%parallel_loop3A_233] {strides = array<i32>} : memref<4096xi32, #tpu.memory_space<vmem>>, vector<16xi32>,
        %parallel_loop3A_235 = arith.cmpi sge, %parallel_loop3A_234, %gather3A : vector<16xi32>
        %parallel_loop3A_236 = arith.constant 1 : i32
        %parallel_loop3A_237 = vector.broadcast %parallel_loop3A_236 : i32 to vector<16xi32>
        %parallel_loop3A_238 = arith.addi %parallel_loop3A_234, %parallel_loop3A_237 : vector<16xi32>
        %parallel_loop3A_239 = arith.select %parallel_loop3A_235, %parallel_loop3A_238, %parallel_loop3A_234 : vector<16xi1>, vector<16xi32>
        %parallel_loop3A_240 = arith.constant 11 : i32
        %parallel_loop3A_241 = vector.broadcast %parallel_loop3A_240 : i32 to vector<16xi32>
        %parallel_loop3A_242 = arith.shrui %parallel_loop3A_239, %parallel_loop3A_241 : vector<16xi32>
        %parallel_loop3A_243 = arith.constant 10 : i32
        %parallel_loop3A_244 = vector.broadcast %parallel_loop3A_243 : i32 to vector<16xi32>
        %parallel_loop3A_245 = arith.shli %parallel_loop3A_242, %parallel_loop3A_244 : vector<16xi32>
        %parallel_loop3A_246 = arith.constant 1023 : i32
        %parallel_loop3A_247 = vector.broadcast %parallel_loop3A_246 : i32 to vector<16xi32>
        %parallel_loop3A_248 = arith.andi %parallel_loop3A_239, %parallel_loop3A_247 : vector<16xi32>
        %parallel_loop3A_249 = arith.ori %parallel_loop3A_245, %parallel_loop3A_248 : vector<16xi32>
        %parallel_loop3A_250 = tpu.vector_load_idx %arg6[%parallel_loop3A_249] : memref<50176xi32, #tpu.memory_space<vmem>>[vector<16xi32>], vector<16xi32>,
        %parallel_loop3A_251 = arith.constant 1024 : i32
        %parallel_loop3A_252 = vector.broadcast %parallel_loop3A_251 : i32 to vector<16xi32>
        %parallel_loop3A_253 = arith.andi %parallel_loop3A_239, %parallel_loop3A_252 : vector<16xi32>
        %parallel_loop3A_254 = arith.constant 0 : i32
        %parallel_loop3A_255 = vector.broadcast %parallel_loop3A_254 : i32 to vector<16xi32>
        %parallel_loop3A_256 = arith.cmpi sgt, %parallel_loop3A_253, %parallel_loop3A_255 : vector<16xi32>
        %parallel_loop3A_257 = arith.constant -65536 : i32
        %parallel_loop3A_258 = vector.broadcast %parallel_loop3A_257 : i32 to vector<16xi32>
        %parallel_loop3A_259 = arith.andi %parallel_loop3A_250, %parallel_loop3A_258 : vector<16xi32>
        %parallel_loop3A_260 = arith.constant 16 : i32
        %parallel_loop3A_261 = vector.broadcast %parallel_loop3A_260 : i32 to vector<16xi32>
        %parallel_loop3A_262 = arith.shli %parallel_loop3A_250, %parallel_loop3A_261 : vector<16xi32>
        %parallel_loop3A_263 = arith.select %parallel_loop3A_256, %parallel_loop3A_259, %parallel_loop3A_262 : vector<16xi1>, vector<16xi32>
        %parallel_loop3A_264 = vector.bitcast %parallel_loop3A_263 : vector<16xi32> to vector<16xf32>
        %parallel_loop3A_265 = arith.constant 14.2857141 : f32
        %parallel_loop3A_266 = vector.broadcast %parallel_loop3A_265 : f32 to vector<16xf32>
        %parallel_loop3A_267 = arith.mulf %parallel_loop3A_264, %parallel_loop3A_266 : vector<16xf32>
        %parallel_loop3A_268 = math.exp %parallel_loop3A_267 : vector<16xf32>
        %parallel_loop3A_269 = arith.addf %parallel_loop3A_105, %parallel_loop3A_268 : vector<16xf32>
        scf.yield %parallel_loop3A_146, %parallel_loop3A_187, %parallel_loop3A_228, %parallel_loop3A_269 : vector<16xf32>, vector<16xf32>, vector<16xf32>, vector<16xf32>
      } {sc.loop_unroll_factor = 1 : i64, sc.parallel_access}
      %add3A_57 = arith.addf %parallel_loop3A_56#0, %parallel_loop3A_56#1 : vector<16xf32>
      %add3A_58 = arith.addf %add3A_57, %parallel_loop3A_56#2 : vector<16xf32>
      %add3A_59 = arith.addf %add3A_58, %parallel_loop3A_56#3 : vector<16xf32>
      %swap3A = arith.index_cast %mul3A_51 : i32 to index
      %swap3A_60 = arith.constant 0 : index
      %swap3A_61 = tpu.vector_load %arg11[%swap3A, %swap3A_60] {strides = array<i32>} : memref<32x16xf32, #tpu.memory_space<vmem>>, vector<16xf32>,
      tpu.vector_store %arg11[%swap3A, %swap3A_60], %add3A_59 {strides = array<i32>} : memref<32x16xf32, #tpu.memory_space<vmem>>, vector<16xf32>,
      %lt3A = arith.constant 15 : i32
      %lt3A_62 = arith.cmpi slt, %scan3A_35, %lt3A : i32
      %convert_element_type3A = arith.extui %lt3A_62 : i1 to i32
      %cond3A = arith.constant 0 : i32
      %cond3A_63 = arith.cmpi ne, %convert_element_type3A, %cond3A : i32
      scf.if %cond3A_63 {
        %add3A_101 = arith.constant 2 : i32
        %add3A_102 = arith.addi %add3A_38, %add3A_101 : i32
        %dma_start3A_103 = arith.constant 0 : i32
        %dma_start3A_104 = tpu.memref_slice %arg2[%add3A_102, %dma_start3A_103] : memref<1024x50176xi32, #tpu.memory_space<hbm>> -> memref<1x50176xi32, #tpu.memory_space<hbm>>
        %dma_start3A_105 = tpu.memref_squeeze %dma_start3A_104 : memref<1x50176xi32, #tpu.memory_space<hbm>> -> memref<50176xi32, #tpu.memory_space<hbm>>
        %dma_start3A_106 = arith.constant 0 : i32
        %dma_start3A_107 = tpu.memref_slice %arg2[%add3A_102, %dma_start3A_106] : memref<1024x50176xi32, #tpu.memory_space<hbm>> -> memref<1x50176xi32, #tpu.memory_space<hbm>>
        %dma_start3A_108 = tpu.memref_squeeze %dma_start3A_107 : memref<1x50176xi32, #tpu.memory_space<hbm>> -> memref<50176xi32, #tpu.memory_space<hbm>>
        tpu.enqueue_dma source(%dma_start3A_108 : memref<50176xi32, #tpu.memory_space<hbm>>) target(%arg6 : memref<50176xi32, #tpu.memory_space<vmem>>) target_semaphore(%arg12 : memref<!tpu.dma_semaphore, #tpu.memory_space<semaphore_mem>>)
        %dma_start3A_109 = arith.constant 0 : i32
        %dma_start3A_110 = tpu.memref_slice %arg3[%add3A_102, %dma_start3A_109] : memref<1024x4096xi32, #tpu.memory_space<hbm>> -> memref<1x4096xi32, #tpu.memory_space<hbm>>
        %dma_start3A_111 = tpu.memref_squeeze %dma_start3A_110 : memref<1x4096xi32, #tpu.memory_space<hbm>> -> memref<4096xi32, #tpu.memory_space<hbm>>
        %dma_start3A_112 = arith.constant 0 : i32
        %dma_start3A_113 = tpu.memref_slice %arg3[%add3A_102, %dma_start3A_112] : memref<1024x4096xi32, #tpu.memory_space<hbm>> -> memref<1x4096xi32, #tpu.memory_space<hbm>>
        %dma_start3A_114 = tpu.memref_squeeze %dma_start3A_113 : memref<1x4096xi32, #tpu.memory_space<hbm>> -> memref<4096xi32, #tpu.memory_space<hbm>>
        tpu.enqueue_dma source(%dma_start3A_114 : memref<4096xi32, #tpu.memory_space<hbm>>) target(%arg8 : memref<4096xi32, #tpu.memory_space<vmem>>) target_semaphore(%arg12 : memref<!tpu.dma_semaphore, #tpu.memory_space<semaphore_mem>>)
      } else {
      }
      %add3A_64 = arith.constant 1 : i32
      %add3A_65 = arith.addi %add3A_38, %add3A_64 : i32
      %dma_wait3A_66 = arith.constant 0 : i32
      %dma_wait3A_67 = tpu.memref_slice %arg2[%add3A_65, %dma_wait3A_66] : memref<1024x50176xi32, #tpu.memory_space<hbm>> -> memref<1x50176xi32, #tpu.memory_space<hbm>>
      %dma_wait3A_68 = tpu.memref_squeeze %dma_wait3A_67 : memref<1x50176xi32, #tpu.memory_space<hbm>> -> memref<50176xi32, #tpu.memory_space<hbm>>
      %dma_wait3A_69 = arith.constant 0 : i32
      %dma_wait3A_70 = tpu.memref_slice %arg2[%add3A_65, %dma_wait3A_69] : memref<1024x50176xi32, #tpu.memory_space<hbm>> -> memref<1x50176xi32, #tpu.memory_space<hbm>>
      %dma_wait3A_71 = tpu.memref_squeeze %dma_wait3A_70 : memref<1x50176xi32, #tpu.memory_space<hbm>> -> memref<50176xi32, #tpu.memory_space<hbm>>
      tpu.wait_dma2 semaphore(%arg13 : memref<!tpu.dma_semaphore, #tpu.memory_space<semaphore_mem>>) src(%dma_wait3A_71 : memref<50176xi32, #tpu.memory_space<hbm>>) dst(%arg7 : memref<50176xi32, #tpu.memory_space<vmem>>)
      %dma_wait3A_72 = arith.constant 0 : i32
      %dma_wait3A_73 = tpu.memref_slice %arg3[%add3A_65, %dma_wait3A_72] : memref<1024x4096xi32, #tpu.memory_space<hbm>> -> memref<1x4096xi32, #tpu.memory_space<hbm>>
      %dma_wait3A_74 = tpu.memref_squeeze %dma_wait3A_73 : memref<1x4096xi32, #tpu.memory_space<hbm>> -> memref<4096xi32, #tpu.memory_space<hbm>>
      %dma_wait3A_75 = arith.constant 0 : i32
      %dma_wait3A_76 = tpu.memref_slice %arg3[%add3A_65, %dma_wait3A_75] : memref<1024x4096xi32, #tpu.memory_space<hbm>> -> memref<1x4096xi32, #tpu.memory_space<hbm>>
      %dma_wait3A_77 = tpu.memref_squeeze %dma_wait3A_76 : memref<1x4096xi32, #tpu.memory_space<hbm>> -> memref<4096xi32, #tpu.memory_space<hbm>>
      tpu.wait_dma2 semaphore(%arg13 : memref<!tpu.dma_semaphore, #tpu.memory_space<semaphore_mem>>) src(%dma_wait3A_77 : memref<4096xi32, #tpu.memory_space<hbm>>) dst(%arg9 : memref<4096xi32, #tpu.memory_space<vmem>>)
      %mul3A_78 = arith.constant 2 : i32
      %mul3A_79 = arith.muli %mul3A_78, %scan3A_35 : i32
      %add3A_80 = arith.constant 1 : i32
      %add3A_81 = arith.addi %mul3A_79, %add3A_80 : i32
      %broadcast_in_dim3A_82 = vector.broadcast %add3A_81 : i32 to vector<16xi32>
      %gather3A_83 = tpu.vector_load_idx %arg10[%broadcast_in_dim3A_82] : memref<32xi32, #tpu.memory_space<vmem>>[vector<16xi32>], vector<16xi32>,
      %broadcast_in_dim3A_84 = arith.constant 0.000000e+00 : f32
      %broadcast_in_dim3A_85 = vector.broadcast %broadcast_in_dim3A_84 : f32 to vector<16xf32>
      %parallel_loop3A_86 = arith.constant 0 : i32
      %parallel_loop3A_87 = arith.constant 256 : i32
      %parallel_loop3A_88 = arith.constant 4 : i32
      %parallel_loop3A_89:4 = scf.for %parallel_loop3A_101 = %parallel_loop3A_86 to %parallel_loop3A_87 step %parallel_loop3A_88 iter_args(%parallel_loop3A_102 = %broadcast_in_dim3A_85, %parallel_loop3A_103 = %broadcast_in_dim3A_85, %parallel_loop3A_104 = %broadcast_in_dim3A_85, %parallel_loop3A_105 = %broadcast_in_dim3A_85) -> (vector<16xf32>, vector<16xf32>, vector<16xf32>, vector<16xf32>)  : i32 {
        %parallel_loop3A_106 = arith.constant 0 : i32
        %parallel_loop3A_107 = arith.addi %parallel_loop3A_101, %parallel_loop3A_106 : i32
        %parallel_loop3A_108 = arith.constant 16 : i32
        %parallel_loop3A_109 = arith.muli %parallel_loop3A_107, %parallel_loop3A_108 : i32
        %parallel_loop3A_110 = arith.index_cast %parallel_loop3A_109 : i32 to index
        %parallel_loop3A_111 = tpu.vector_load %arg9[%parallel_loop3A_110] {strides = array<i32>} : memref<4096xi32, #tpu.memory_space<vmem>>, vector<16xi32>,
        %parallel_loop3A_112 = arith.cmpi sge, %parallel_loop3A_111, %gather3A_83 : vector<16xi32>
        %parallel_loop3A_113 = arith.constant 1 : i32
        %parallel_loop3A_114 = vector.broadcast %parallel_loop3A_113 : i32 to vector<16xi32>
        %parallel_loop3A_115 = arith.addi %parallel_loop3A_111, %parallel_loop3A_114 : vector<16xi32>
        %parallel_loop3A_116 = arith.select %parallel_loop3A_112, %parallel_loop3A_115, %parallel_loop3A_111 : vector<16xi1>, vector<16xi32>
        %parallel_loop3A_117 = arith.constant 11 : i32
        %parallel_loop3A_118 = vector.broadcast %parallel_loop3A_117 : i32 to vector<16xi32>
        %parallel_loop3A_119 = arith.shrui %parallel_loop3A_116, %parallel_loop3A_118 : vector<16xi32>
        %parallel_loop3A_120 = arith.constant 10 : i32
        %parallel_loop3A_121 = vector.broadcast %parallel_loop3A_120 : i32 to vector<16xi32>
        %parallel_loop3A_122 = arith.shli %parallel_loop3A_119, %parallel_loop3A_121 : vector<16xi32>
        %parallel_loop3A_123 = arith.constant 1023 : i32
        %parallel_loop3A_124 = vector.broadcast %parallel_loop3A_123 : i32 to vector<16xi32>
        %parallel_loop3A_125 = arith.andi %parallel_loop3A_116, %parallel_loop3A_124 : vector<16xi32>
        %parallel_loop3A_126 = arith.ori %parallel_loop3A_122, %parallel_loop3A_125 : vector<16xi32>
        %parallel_loop3A_127 = tpu.vector_load_idx %arg7[%parallel_loop3A_126] : memref<50176xi32, #tpu.memory_space<vmem>>[vector<16xi32>], vector<16xi32>,
        %parallel_loop3A_128 = arith.constant 1024 : i32
        %parallel_loop3A_129 = vector.broadcast %parallel_loop3A_128 : i32 to vector<16xi32>
        %parallel_loop3A_130 = arith.andi %parallel_loop3A_116, %parallel_loop3A_129 : vector<16xi32>
        %parallel_loop3A_131 = arith.constant 0 : i32
        %parallel_loop3A_132 = vector.broadcast %parallel_loop3A_131 : i32 to vector<16xi32>
        %parallel_loop3A_133 = arith.cmpi sgt, %parallel_loop3A_130, %parallel_loop3A_132 : vector<16xi32>
        %parallel_loop3A_134 = arith.constant -65536 : i32
        %parallel_loop3A_135 = vector.broadcast %parallel_loop3A_134 : i32 to vector<16xi32>
        %parallel_loop3A_136 = arith.andi %parallel_loop3A_127, %parallel_loop3A_135 : vector<16xi32>
        %parallel_loop3A_137 = arith.constant 16 : i32
        %parallel_loop3A_138 = vector.broadcast %parallel_loop3A_137 : i32 to vector<16xi32>
        %parallel_loop3A_139 = arith.shli %parallel_loop3A_127, %parallel_loop3A_138 : vector<16xi32>
        %parallel_loop3A_140 = arith.select %parallel_loop3A_133, %parallel_loop3A_136, %parallel_loop3A_139 : vector<16xi1>, vector<16xi32>
        %parallel_loop3A_141 = vector.bitcast %parallel_loop3A_140 : vector<16xi32> to vector<16xf32>
        %parallel_loop3A_142 = arith.constant 14.2857141 : f32
        %parallel_loop3A_143 = vector.broadcast %parallel_loop3A_142 : f32 to vector<16xf32>
        %parallel_loop3A_144 = arith.mulf %parallel_loop3A_141, %parallel_loop3A_143 : vector<16xf32>
        %parallel_loop3A_145 = math.exp %parallel_loop3A_144 : vector<16xf32>
        %parallel_loop3A_146 = arith.addf %parallel_loop3A_102, %parallel_loop3A_145 : vector<16xf32>
        %parallel_loop3A_147 = arith.constant 1 : i32
        %parallel_loop3A_148 = arith.addi %parallel_loop3A_101, %parallel_loop3A_147 : i32
        %parallel_loop3A_149 = arith.constant 16 : i32
        %parallel_loop3A_150 = arith.muli %parallel_loop3A_148, %parallel_loop3A_149 : i32
        %parallel_loop3A_151 = arith.index_cast %parallel_loop3A_150 : i32 to index
        %parallel_loop3A_152 = tpu.vector_load %arg9[%parallel_loop3A_151] {strides = array<i32>} : memref<4096xi32, #tpu.memory_space<vmem>>, vector<16xi32>,
        %parallel_loop3A_153 = arith.cmpi sge, %parallel_loop3A_152, %gather3A_83 : vector<16xi32>
        %parallel_loop3A_154 = arith.constant 1 : i32
        %parallel_loop3A_155 = vector.broadcast %parallel_loop3A_154 : i32 to vector<16xi32>
        %parallel_loop3A_156 = arith.addi %parallel_loop3A_152, %parallel_loop3A_155 : vector<16xi32>
        %parallel_loop3A_157 = arith.select %parallel_loop3A_153, %parallel_loop3A_156, %parallel_loop3A_152 : vector<16xi1>, vector<16xi32>
        %parallel_loop3A_158 = arith.constant 11 : i32
        %parallel_loop3A_159 = vector.broadcast %parallel_loop3A_158 : i32 to vector<16xi32>
        %parallel_loop3A_160 = arith.shrui %parallel_loop3A_157, %parallel_loop3A_159 : vector<16xi32>
        %parallel_loop3A_161 = arith.constant 10 : i32
        %parallel_loop3A_162 = vector.broadcast %parallel_loop3A_161 : i32 to vector<16xi32>
        %parallel_loop3A_163 = arith.shli %parallel_loop3A_160, %parallel_loop3A_162 : vector<16xi32>
        %parallel_loop3A_164 = arith.constant 1023 : i32
        %parallel_loop3A_165 = vector.broadcast %parallel_loop3A_164 : i32 to vector<16xi32>
        %parallel_loop3A_166 = arith.andi %parallel_loop3A_157, %parallel_loop3A_165 : vector<16xi32>
        %parallel_loop3A_167 = arith.ori %parallel_loop3A_163, %parallel_loop3A_166 : vector<16xi32>
        %parallel_loop3A_168 = tpu.vector_load_idx %arg7[%parallel_loop3A_167] : memref<50176xi32, #tpu.memory_space<vmem>>[vector<16xi32>], vector<16xi32>,
        %parallel_loop3A_169 = arith.constant 1024 : i32
        %parallel_loop3A_170 = vector.broadcast %parallel_loop3A_169 : i32 to vector<16xi32>
        %parallel_loop3A_171 = arith.andi %parallel_loop3A_157, %parallel_loop3A_170 : vector<16xi32>
        %parallel_loop3A_172 = arith.constant 0 : i32
        %parallel_loop3A_173 = vector.broadcast %parallel_loop3A_172 : i32 to vector<16xi32>
        %parallel_loop3A_174 = arith.cmpi sgt, %parallel_loop3A_171, %parallel_loop3A_173 : vector<16xi32>
        %parallel_loop3A_175 = arith.constant -65536 : i32
        %parallel_loop3A_176 = vector.broadcast %parallel_loop3A_175 : i32 to vector<16xi32>
        %parallel_loop3A_177 = arith.andi %parallel_loop3A_168, %parallel_loop3A_176 : vector<16xi32>
        %parallel_loop3A_178 = arith.constant 16 : i32
        %parallel_loop3A_179 = vector.broadcast %parallel_loop3A_178 : i32 to vector<16xi32>
        %parallel_loop3A_180 = arith.shli %parallel_loop3A_168, %parallel_loop3A_179 : vector<16xi32>
        %parallel_loop3A_181 = arith.select %parallel_loop3A_174, %parallel_loop3A_177, %parallel_loop3A_180 : vector<16xi1>, vector<16xi32>
        %parallel_loop3A_182 = vector.bitcast %parallel_loop3A_181 : vector<16xi32> to vector<16xf32>
        %parallel_loop3A_183 = arith.constant 14.2857141 : f32
        %parallel_loop3A_184 = vector.broadcast %parallel_loop3A_183 : f32 to vector<16xf32>
        %parallel_loop3A_185 = arith.mulf %parallel_loop3A_182, %parallel_loop3A_184 : vector<16xf32>
        %parallel_loop3A_186 = math.exp %parallel_loop3A_185 : vector<16xf32>
        %parallel_loop3A_187 = arith.addf %parallel_loop3A_103, %parallel_loop3A_186 : vector<16xf32>
        %parallel_loop3A_188 = arith.constant 2 : i32
        %parallel_loop3A_189 = arith.addi %parallel_loop3A_101, %parallel_loop3A_188 : i32
        %parallel_loop3A_190 = arith.constant 16 : i32
        %parallel_loop3A_191 = arith.muli %parallel_loop3A_189, %parallel_loop3A_190 : i32
        %parallel_loop3A_192 = arith.index_cast %parallel_loop3A_191 : i32 to index
        %parallel_loop3A_193 = tpu.vector_load %arg9[%parallel_loop3A_192] {strides = array<i32>} : memref<4096xi32, #tpu.memory_space<vmem>>, vector<16xi32>,
        %parallel_loop3A_194 = arith.cmpi sge, %parallel_loop3A_193, %gather3A_83 : vector<16xi32>
        %parallel_loop3A_195 = arith.constant 1 : i32
        %parallel_loop3A_196 = vector.broadcast %parallel_loop3A_195 : i32 to vector<16xi32>
        %parallel_loop3A_197 = arith.addi %parallel_loop3A_193, %parallel_loop3A_196 : vector<16xi32>
        %parallel_loop3A_198 = arith.select %parallel_loop3A_194, %parallel_loop3A_197, %parallel_loop3A_193 : vector<16xi1>, vector<16xi32>
        %parallel_loop3A_199 = arith.constant 11 : i32
        %parallel_loop3A_200 = vector.broadcast %parallel_loop3A_199 : i32 to vector<16xi32>
        %parallel_loop3A_201 = arith.shrui %parallel_loop3A_198, %parallel_loop3A_200 : vector<16xi32>
        %parallel_loop3A_202 = arith.constant 10 : i32
        %parallel_loop3A_203 = vector.broadcast %parallel_loop3A_202 : i32 to vector<16xi32>
        %parallel_loop3A_204 = arith.shli %parallel_loop3A_201, %parallel_loop3A_203 : vector<16xi32>
        %parallel_loop3A_205 = arith.constant 1023 : i32
        %parallel_loop3A_206 = vector.broadcast %parallel_loop3A_205 : i32 to vector<16xi32>
        %parallel_loop3A_207 = arith.andi %parallel_loop3A_198, %parallel_loop3A_206 : vector<16xi32>
        %parallel_loop3A_208 = arith.ori %parallel_loop3A_204, %parallel_loop3A_207 : vector<16xi32>
        %parallel_loop3A_209 = tpu.vector_load_idx %arg7[%parallel_loop3A_208] : memref<50176xi32, #tpu.memory_space<vmem>>[vector<16xi32>], vector<16xi32>,
        %parallel_loop3A_210 = arith.constant 1024 : i32
        %parallel_loop3A_211 = vector.broadcast %parallel_loop3A_210 : i32 to vector<16xi32>
        %parallel_loop3A_212 = arith.andi %parallel_loop3A_198, %parallel_loop3A_211 : vector<16xi32>
        %parallel_loop3A_213 = arith.constant 0 : i32
        %parallel_loop3A_214 = vector.broadcast %parallel_loop3A_213 : i32 to vector<16xi32>
        %parallel_loop3A_215 = arith.cmpi sgt, %parallel_loop3A_212, %parallel_loop3A_214 : vector<16xi32>
        %parallel_loop3A_216 = arith.constant -65536 : i32
        %parallel_loop3A_217 = vector.broadcast %parallel_loop3A_216 : i32 to vector<16xi32>
        %parallel_loop3A_218 = arith.andi %parallel_loop3A_209, %parallel_loop3A_217 : vector<16xi32>
        %parallel_loop3A_219 = arith.constant 16 : i32
        %parallel_loop3A_220 = vector.broadcast %parallel_loop3A_219 : i32 to vector<16xi32>
        %parallel_loop3A_221 = arith.shli %parallel_loop3A_209, %parallel_loop3A_220 : vector<16xi32>
        %parallel_loop3A_222 = arith.select %parallel_loop3A_215, %parallel_loop3A_218, %parallel_loop3A_221 : vector<16xi1>, vector<16xi32>
        %parallel_loop3A_223 = vector.bitcast %parallel_loop3A_222 : vector<16xi32> to vector<16xf32>
        %parallel_loop3A_224 = arith.constant 14.2857141 : f32
        %parallel_loop3A_225 = vector.broadcast %parallel_loop3A_224 : f32 to vector<16xf32>
        %parallel_loop3A_226 = arith.mulf %parallel_loop3A_223, %parallel_loop3A_225 : vector<16xf32>
        %parallel_loop3A_227 = math.exp %parallel_loop3A_226 : vector<16xf32>
        %parallel_loop3A_228 = arith.addf %parallel_loop3A_104, %parallel_loop3A_227 : vector<16xf32>
        %parallel_loop3A_229 = arith.constant 3 : i32
        %parallel_loop3A_230 = arith.addi %parallel_loop3A_101, %parallel_loop3A_229 : i32
        %parallel_loop3A_231 = arith.constant 16 : i32
        %parallel_loop3A_232 = arith.muli %parallel_loop3A_230, %parallel_loop3A_231 : i32
        %parallel_loop3A_233 = arith.index_cast %parallel_loop3A_232 : i32 to index
        %parallel_loop3A_234 = tpu.vector_load %arg9[%parallel_loop3A_233] {strides = array<i32>} : memref<4096xi32, #tpu.memory_space<vmem>>, vector<16xi32>,
        %parallel_loop3A_235 = arith.cmpi sge, %parallel_loop3A_234, %gather3A_83 : vector<16xi32>
        %parallel_loop3A_236 = arith.constant 1 : i32
        %parallel_loop3A_237 = vector.broadcast %parallel_loop3A_236 : i32 to vector<16xi32>
        %parallel_loop3A_238 = arith.addi %parallel_loop3A_234, %parallel_loop3A_237 : vector<16xi32>
        %parallel_loop3A_239 = arith.select %parallel_loop3A_235, %parallel_loop3A_238, %parallel_loop3A_234 : vector<16xi1>, vector<16xi32>
        %parallel_loop3A_240 = arith.constant 11 : i32
        %parallel_loop3A_241 = vector.broadcast %parallel_loop3A_240 : i32 to vector<16xi32>
        %parallel_loop3A_242 = arith.shrui %parallel_loop3A_239, %parallel_loop3A_241 : vector<16xi32>
        %parallel_loop3A_243 = arith.constant 10 : i32
        %parallel_loop3A_244 = vector.broadcast %parallel_loop3A_243 : i32 to vector<16xi32>
        %parallel_loop3A_245 = arith.shli %parallel_loop3A_242, %parallel_loop3A_244 : vector<16xi32>
        %parallel_loop3A_246 = arith.constant 1023 : i32
        %parallel_loop3A_247 = vector.broadcast %parallel_loop3A_246 : i32 to vector<16xi32>
        %parallel_loop3A_248 = arith.andi %parallel_loop3A_239, %parallel_loop3A_247 : vector<16xi32>
        %parallel_loop3A_249 = arith.ori %parallel_loop3A_245, %parallel_loop3A_248 : vector<16xi32>
        %parallel_loop3A_250 = tpu.vector_load_idx %arg7[%parallel_loop3A_249] : memref<50176xi32, #tpu.memory_space<vmem>>[vector<16xi32>], vector<16xi32>,
        %parallel_loop3A_251 = arith.constant 1024 : i32
        %parallel_loop3A_252 = vector.broadcast %parallel_loop3A_251 : i32 to vector<16xi32>
        %parallel_loop3A_253 = arith.andi %parallel_loop3A_239, %parallel_loop3A_252 : vector<16xi32>
        %parallel_loop3A_254 = arith.constant 0 : i32
        %parallel_loop3A_255 = vector.broadcast %parallel_loop3A_254 : i32 to vector<16xi32>
        %parallel_loop3A_256 = arith.cmpi sgt, %parallel_loop3A_253, %parallel_loop3A_255 : vector<16xi32>
        %parallel_loop3A_257 = arith.constant -65536 : i32
        %parallel_loop3A_258 = vector.broadcast %parallel_loop3A_257 : i32 to vector<16xi32>
        %parallel_loop3A_259 = arith.andi %parallel_loop3A_250, %parallel_loop3A_258 : vector<16xi32>
        %parallel_loop3A_260 = arith.constant 16 : i32
        %parallel_loop3A_261 = vector.broadcast %parallel_loop3A_260 : i32 to vector<16xi32>
        %parallel_loop3A_262 = arith.shli %parallel_loop3A_250, %parallel_loop3A_261 : vector<16xi32>
        %parallel_loop3A_263 = arith.select %parallel_loop3A_256, %parallel_loop3A_259, %parallel_loop3A_262 : vector<16xi1>, vector<16xi32>
        %parallel_loop3A_264 = vector.bitcast %parallel_loop3A_263 : vector<16xi32> to vector<16xf32>
        %parallel_loop3A_265 = arith.constant 14.2857141 : f32
        %parallel_loop3A_266 = vector.broadcast %parallel_loop3A_265 : f32 to vector<16xf32>
        %parallel_loop3A_267 = arith.mulf %parallel_loop3A_264, %parallel_loop3A_266 : vector<16xf32>
        %parallel_loop3A_268 = math.exp %parallel_loop3A_267 : vector<16xf32>
        %parallel_loop3A_269 = arith.addf %parallel_loop3A_105, %parallel_loop3A_268 : vector<16xf32>
        scf.yield %parallel_loop3A_146, %parallel_loop3A_187, %parallel_loop3A_228, %parallel_loop3A_269 : vector<16xf32>, vector<16xf32>, vector<16xf32>, vector<16xf32>
      } {sc.loop_unroll_factor = 1 : i64, sc.parallel_access}
      %add3A_90 = arith.addf %parallel_loop3A_89#0, %parallel_loop3A_89#1 : vector<16xf32>
      %add3A_91 = arith.addf %add3A_90, %parallel_loop3A_89#2 : vector<16xf32>
      %add3A_92 = arith.addf %add3A_91, %parallel_loop3A_89#3 : vector<16xf32>
      %swap3A_93 = arith.index_cast %add3A_81 : i32 to index
      %swap3A_94 = arith.constant 0 : index
      %swap3A_95 = tpu.vector_load %arg11[%swap3A_93, %swap3A_94] {strides = array<i32>} : memref<32x16xf32, #tpu.memory_space<vmem>>, vector<16xf32>,
      tpu.vector_store %arg11[%swap3A_93, %swap3A_94], %add3A_92 {strides = array<i32>} : memref<32x16xf32, #tpu.memory_space<vmem>>, vector<16xf32>,
      %lt3A_96 = arith.constant 15 : i32
      %lt3A_97 = arith.cmpi slt, %scan3A_35, %lt3A_96 : i32
      %convert_element_type3A_98 = arith.extui %lt3A_97 : i1 to i32
      %cond3A_99 = arith.constant 0 : i32
      %cond3A_100 = arith.cmpi ne, %convert_element_type3A_98, %cond3A_99 : i32
      scf.if %cond3A_100 {
        %add3A_101 = arith.constant 3 : i32
        %add3A_102 = arith.addi %add3A_38, %add3A_101 : i32
        %dma_start3A_103 = arith.constant 0 : i32
        %dma_start3A_104 = tpu.memref_slice %arg2[%add3A_102, %dma_start3A_103] : memref<1024x50176xi32, #tpu.memory_space<hbm>> -> memref<1x50176xi32, #tpu.memory_space<hbm>>
        %dma_start3A_105 = tpu.memref_squeeze %dma_start3A_104 : memref<1x50176xi32, #tpu.memory_space<hbm>> -> memref<50176xi32, #tpu.memory_space<hbm>>
        %dma_start3A_106 = arith.constant 0 : i32
        %dma_start3A_107 = tpu.memref_slice %arg2[%add3A_102, %dma_start3A_106] : memref<1024x50176xi32, #tpu.memory_space<hbm>> -> memref<1x50176xi32, #tpu.memory_space<hbm>>
        %dma_start3A_108 = tpu.memref_squeeze %dma_start3A_107 : memref<1x50176xi32, #tpu.memory_space<hbm>> -> memref<50176xi32, #tpu.memory_space<hbm>>
        tpu.enqueue_dma source(%dma_start3A_108 : memref<50176xi32, #tpu.memory_space<hbm>>) target(%arg7 : memref<50176xi32, #tpu.memory_space<vmem>>) target_semaphore(%arg13 : memref<!tpu.dma_semaphore, #tpu.memory_space<semaphore_mem>>)
        %dma_start3A_109 = arith.constant 0 : i32
        %dma_start3A_110 = tpu.memref_slice %arg3[%add3A_102, %dma_start3A_109] : memref<1024x4096xi32, #tpu.memory_space<hbm>> -> memref<1x4096xi32, #tpu.memory_space<hbm>>
        %dma_start3A_111 = tpu.memref_squeeze %dma_start3A_110 : memref<1x4096xi32, #tpu.memory_space<hbm>> -> memref<4096xi32, #tpu.memory_space<hbm>>
        %dma_start3A_112 = arith.constant 0 : i32
        %dma_start3A_113 = tpu.memref_slice %arg3[%add3A_102, %dma_start3A_112] : memref<1024x4096xi32, #tpu.memory_space<hbm>> -> memref<1x4096xi32, #tpu.memory_space<hbm>>
        %dma_start3A_114 = tpu.memref_squeeze %dma_start3A_113 : memref<1x4096xi32, #tpu.memory_space<hbm>> -> memref<4096xi32, #tpu.memory_space<hbm>>
        tpu.enqueue_dma source(%dma_start3A_114 : memref<4096xi32, #tpu.memory_space<hbm>>) target(%arg9 : memref<4096xi32, #tpu.memory_space<vmem>>) target_semaphore(%arg13 : memref<!tpu.dma_semaphore, #tpu.memory_space<semaphore_mem>>)
      } else {
      }
    }
    %scan3A_34 = arith.constant 16 : i32
    "tpu.region"() ({
      %run_scoped3A = tpu.sem_alloc : memref<!tpu.dma_semaphore, #tpu.memory_space<semaphore_mem>>
      %dma_start3A_35 = arith.constant 0 : i32
      %dma_start3A_36 = tpu.memref_slice %arg5[%mul3A_2, %dma_start3A_35] : memref<1024x16xf32, #tpu.memory_space<hbm>> -> memref<32x16xf32, #tpu.memory_space<hbm>>
      %dma_start3A_37 = arith.constant 0 : i32
      %dma_start3A_38 = tpu.memref_slice %arg5[%mul3A_2, %dma_start3A_37] : memref<1024x16xf32, #tpu.memory_space<hbm>> -> memref<32x16xf32, #tpu.memory_space<hbm>>
      tpu.enqueue_dma source(%arg11 : memref<32x16xf32, #tpu.memory_space<vmem>>) target(%dma_start3A_38 : memref<32x16xf32, #tpu.memory_space<hbm>>) target_semaphore(%run_scoped3A : memref<!tpu.dma_semaphore, #tpu.memory_space<semaphore_mem>>)
      %dma_wait3A = arith.constant 0 : i32
      %dma_wait3A_39 = tpu.memref_slice %arg5[%mul3A_2, %dma_wait3A] : memref<1024x16xf32, #tpu.memory_space<hbm>> -> memref<32x16xf32, #tpu.memory_space<hbm>>
      %dma_wait3A_40 = arith.constant 0 : i32
      %dma_wait3A_41 = tpu.memref_slice %arg5[%mul3A_2, %dma_wait3A_40] : memref<1024x16xf32, #tpu.memory_space<hbm>> -> memref<32x16xf32, #tpu.memory_space<hbm>>
      tpu.wait_dma2 semaphore(%run_scoped3A : memref<!tpu.dma_semaphore, #tpu.memory_space<semaphore_mem>>) src(%arg11 : memref<32x16xf32, #tpu.memory_space<vmem>>) dst(%dma_wait3A_41 : memref<32x16xf32, #tpu.memory_space<hbm>>)
      tpu.yield
    }) : () -> ()
    return
  }
}

module attributes {stable_mosaic.version = 14 : i64} {
  func.func @_zmat_body(%arg0: i32, %arg1: memref<1024x128xf32, #tpu.memory_space<vmem>>, %arg2: memref<2048x128xf32, #tpu.memory_space<vmem>>, %arg3: memref<1024x1024xi32, #tpu.memory_space<vmem>>) attributes {dimension_semantics = [#tpu.dimension_semantics<arbitrary>], iteration_bounds = array<i64: 49>, scalar_prefetch = 0 : i64, scratch_operands = 0 : i64, tpu.core_type = #tpu.core_type<tc>, window_params = [{pipeline_mode = #tpu.pipeline_mode<synchronous>, transform_indices = @transform_0, window_bounds = array<i64: 1024, 128>}, {transform_indices = @transform_1, window_bounds = array<i64: 2048, 128>}, {transform_indices = @transform_2, window_bounds = array<i64: 1024, 1024>}]} {
    %get3A = arith.constant 0 : index
    %get3A_0 = arith.constant 0 : index
    %get3A_1 = vector.load %arg1[%get3A, %get3A_0] : memref<1024x128xf32, #tpu.memory_space<vmem>>, vector<1024x128xf32>
    %mul3A = arith.mulf %get3A_1, %get3A_1 : vector<1024x128xf32>
    %reduce_sum3A = arith.constant dense<0.000000e+00> : vector<1024xf32>
    %reduce_sum3A_2 = vector.multi_reduction <add>, %mul3A, %reduce_sum3A [1] : vector<1024x128xf32> to vector<1024xf32>
    %broadcast_in_dim3A = vector.shape_cast %reduce_sum3A_2 : vector<1024xf32> to vector<1024x1xf32>
    %sqrt3A = math.sqrt %broadcast_in_dim3A : vector<1024x1xf32>
    %max3A = arith.constant 9.99999996E-13 : f32
    %max3A_3 = vector.broadcast %max3A : f32 to vector<1024x1xf32>
    %max3A_4 = arith.maximumf %sqrt3A, %max3A_3 : vector<1024x1xf32>
    %div3A = vector.broadcast %max3A_4 : vector<1024x1xf32> to vector<1024x128xf32>
    %div3A_5 = arith.divf %get3A_1, %div3A : vector<1024x128xf32>
    %convert_element_type3A = arith.truncf %div3A_5 : vector<1024x128xf32> to vector<1024x128xbf16>
    %get3A_6 = arith.constant 0 : index
    %get3A_7 = arith.constant 0 : index
    %get3A_8 = vector.load %arg2[%get3A_6, %get3A_7] : memref<2048x128xf32, #tpu.memory_space<vmem>>, vector<2048x128xf32>
    %convert_element_type3A_9 = arith.truncf %get3A_8 : vector<2048x128xf32> to vector<2048x128xbf16>
    %dot_general3A = arith.constant dense<0.000000e+00> : vector<1024x2048xf32>
    %dot_general3A_10 = tpu.matmul %convert_element_type3A, %convert_element_type3A_9, %dot_general3A {dimension_numbers = #tpu.dot_dimension_numbers<[1], [1], [0], [0], [0, 0, 1, 0], [], []>, transpose_lhs_hint = false} : vector<1024x128xbf16>, vector<2048x128xbf16>, vector<1024x2048xf32> -> vector<1024x2048xf32>
    %slice3A = vector.extract_strided_slice %dot_general3A_10 {offsets = [0, 0], sizes = [1024, 1024], strides = [1, 1]} : vector<1024x2048xf32> to vector<1024x1024xf32>
    %convert_element_type3A_11 = arith.truncf %slice3A : vector<1024x1024xf32> to vector<1024x1024xbf16>
    %convert_element_type3A_12 = arith.extf %convert_element_type3A_11 : vector<1024x1024xbf16> to vector<1024x1024xf32>
    %slice3A_13 = vector.extract_strided_slice %dot_general3A_10 {offsets = [0, 1024], sizes = [1024, 1024], strides = [1, 1]} : vector<1024x2048xf32> to vector<1024x1024xf32>
    %convert_element_type3A_14 = arith.truncf %slice3A_13 : vector<1024x1024xf32> to vector<1024x1024xbf16>
    %convert_element_type3A_15 = arith.extf %convert_element_type3A_14 : vector<1024x1024xbf16> to vector<1024x1024xf32>
    %bitcast_convert_type3A = tpu.bitcast %convert_element_type3A_12 : vector<1024x1024xf32> -> vector<1024x1024xi32>
    %shift_right_logical3A = arith.constant 16 : i32
    %shift_right_logical3A_16 = vector.broadcast %shift_right_logical3A : i32 to vector<1024x1024xi32>
    %shift_right_logical3A_17 = arith.shrui %bitcast_convert_type3A, %shift_right_logical3A_16 : vector<1024x1024xi32>
    %bitcast_convert_type3A_18 = tpu.bitcast %convert_element_type3A_15 : vector<1024x1024xf32> -> vector<1024x1024xi32>
    %and3A = arith.constant -65536 : i32
    %and3A_19 = vector.broadcast %and3A : i32 to vector<1024x1024xi32>
    %and3A_20 = arith.andi %bitcast_convert_type3A_18, %and3A_19 : vector<1024x1024xi32>
    %or3A = arith.ori %and3A_20, %shift_right_logical3A_17 : vector<1024x1024xi32>
    %bitcast_convert_type3A_21 = tpu.bitcast %or3A : vector<1024x1024xi32> -> vector<1024x1024xi32>
    %swap3A = arith.constant 0 : index
    %swap3A_22 = arith.constant 0 : index
    %swap3A_23 = vector.load %arg3[%swap3A, %swap3A_22] : memref<1024x1024xi32, #tpu.memory_space<vmem>>, vector<1024x1024xi32>
    tpu.vector_store %arg3[%swap3A, %swap3A_22], %bitcast_convert_type3A_21 {strides = array<i32>} : memref<1024x1024xi32, #tpu.memory_space<vmem>>, vector<1024x1024xi32>,
    return
  }
  func.func @transform_0(%arg0: i32) -> (i32, i32) {
    %c0_i32 = arith.constant 0 : i32
    %c0_i32_0 = arith.constant 0 : i32
    %c0_i32_1 = arith.constant 0 : i32
    return %c0_i32, %c0_i32_0 : i32, i32
  }
  func.func @transform_1(%arg0: i32) -> (i32, i32) {
    %c0_i32 = arith.constant 0 : i32
    %c0_i32_0 = arith.constant 0 : i32
    return %arg0, %c0_i32 : i32, i32
  }
  func.func @transform_2(%arg0: i32) -> (i32, i32) {
    %c0_i32 = arith.constant 0 : i32
    %c0_i32_0 = arith.constant 0 : i32
    return %c0_i32, %arg0 : i32, i32
  }
}

module attributes {stable_mosaic.version = 14 : i64} {
  func.func @_loss_body(%arg0: memref<1024x128xf32, #tpu.memory_space<vmem>>, %arg1: memref<1024x128xf32, #tpu.memory_space<vmem>>, %arg2: memref<1024x16xf32, #tpu.memory_space<vmem>>, %arg3: memref<1x1xf32, #tpu.memory_space<vmem>>) attributes {dimension_semantics = [], scalar_prefetch = 0 : i64, scratch_operands = 0 : i64, tpu.core_type = #tpu.core_type<tc>} {
    %get3A = arith.constant 0 : index
    %get3A_0 = arith.constant 0 : index
    %get3A_1 = vector.load %arg0[%get3A, %get3A_0] : memref<1024x128xf32, #tpu.memory_space<vmem>>, vector<1024x128xf32>
    %mul3A = arith.mulf %get3A_1, %get3A_1 : vector<1024x128xf32>
    %reduce_sum3A = arith.constant dense<0.000000e+00> : vector<1024xf32>
    %reduce_sum3A_2 = vector.multi_reduction <add>, %mul3A, %reduce_sum3A [1] : vector<1024x128xf32> to vector<1024xf32>
    %broadcast_in_dim3A = vector.shape_cast %reduce_sum3A_2 : vector<1024xf32> to vector<1024x1xf32>
    %sqrt3A = math.sqrt %broadcast_in_dim3A : vector<1024x1xf32>
    %max3A = arith.constant 9.99999996E-13 : f32
    %max3A_3 = vector.broadcast %max3A : f32 to vector<1024x1xf32>
    %max3A_4 = arith.maximumf %sqrt3A, %max3A_3 : vector<1024x1xf32>
    %div3A = vector.broadcast %max3A_4 : vector<1024x1xf32> to vector<1024x128xf32>
    %div3A_5 = arith.divf %get3A_1, %div3A : vector<1024x128xf32>
    %get3A_6 = arith.constant 0 : index
    %get3A_7 = arith.constant 0 : index
    %get3A_8 = vector.load %arg1[%get3A_6, %get3A_7] : memref<1024x128xf32, #tpu.memory_space<vmem>>, vector<1024x128xf32>
    %mul3A_9 = arith.mulf %get3A_8, %get3A_8 : vector<1024x128xf32>
    %reduce_sum3A_10 = arith.constant dense<0.000000e+00> : vector<1024xf32>
    %reduce_sum3A_11 = vector.multi_reduction <add>, %mul3A_9, %reduce_sum3A_10 [1] : vector<1024x128xf32> to vector<1024xf32>
    %broadcast_in_dim3A_12 = vector.shape_cast %reduce_sum3A_11 : vector<1024xf32> to vector<1024x1xf32>
    %sqrt3A_13 = math.sqrt %broadcast_in_dim3A_12 : vector<1024x1xf32>
    %max3A_14 = arith.constant 9.99999996E-13 : f32
    %max3A_15 = vector.broadcast %max3A_14 : f32 to vector<1024x1xf32>
    %max3A_16 = arith.maximumf %sqrt3A_13, %max3A_15 : vector<1024x1xf32>
    %div3A_17 = vector.broadcast %max3A_16 : vector<1024x1xf32> to vector<1024x128xf32>
    %div3A_18 = arith.divf %get3A_8, %div3A_17 : vector<1024x128xf32>
    %mul3A_19 = arith.mulf %div3A_5, %div3A_18 : vector<1024x128xf32>
    %reduce_sum3A_20 = arith.constant dense<0.000000e+00> : vector<1024xf32>
    %reduce_sum3A_21 = vector.multi_reduction <add>, %mul3A_19, %reduce_sum3A_20 [1] : vector<1024x128xf32> to vector<1024xf32>
    %broadcast_in_dim3A_22 = vector.shape_cast %reduce_sum3A_21 : vector<1024xf32> to vector<1024x1xf32>
    %mul3A_23 = arith.constant 14.2857141 : f32
    %mul3A_24 = vector.broadcast %mul3A_23 : f32 to vector<1024x1xf32>
    %mul3A_25 = arith.mulf %broadcast_in_dim3A_22, %mul3A_24 : vector<1024x1xf32>
    %get3A_26 = arith.constant 0 : index
    %get3A_27 = arith.constant 0 : index
    %get3A_28 = vector.load %arg2[%get3A_26, %get3A_27] : memref<1024x16xf32, #tpu.memory_space<vmem>>, vector<1024x16xf32>
    %reduce_sum3A_29 = arith.constant dense<0.000000e+00> : vector<1024xf32>
    %reduce_sum3A_30 = vector.multi_reduction <add>, %get3A_28, %reduce_sum3A_29 [1] : vector<1024x16xf32> to vector<1024xf32>
    %broadcast_in_dim3A_31 = vector.shape_cast %reduce_sum3A_30 : vector<1024xf32> to vector<1024x1xf32>
    %exp3A = math.exp %mul3A_25 : vector<1024x1xf32>
    %add3A = arith.addf %exp3A, %broadcast_in_dim3A_31 : vector<1024x1xf32>
    %log3A = math.log %add3A : vector<1024x1xf32>
    %sub3A = arith.subf %log3A, %mul3A_25 : vector<1024x1xf32>
    %reduce_sum3A_32 = vector.shape_cast %sub3A : vector<1024x1xf32> to vector<1x1024x1xf32>
    %reduce_sum3A_33 = arith.constant dense<0.000000e+00> : vector<1xf32>
    %reduce_sum3A_34 = vector.multi_reduction <add>, %reduce_sum3A_32, %reduce_sum3A_33 [1, 2] : vector<1x1024x1xf32> to vector<1xf32>
    %reduce_sum3A_35 = vector.shape_cast %reduce_sum3A_34 : vector<1xf32> to vector<1x1x1xf32>
    %reduce_sum3A_36 = vector.extract %reduce_sum3A_35[0, 0, 0] : f32 from vector<1x1x1xf32>
    %div3A_37 = arith.constant 1.024000e+03 : f32
    %div3A_38 = arith.divf %reduce_sum3A_36, %div3A_37 : f32
    %broadcast_in_dim3A_39 = vector.broadcast %div3A_38 : f32 to vector<1x1xf32>
    %swap3A = arith.constant 0 : index
    %swap3A_40 = arith.constant 0 : index
    %swap3A_41 = vector.load %arg3[%swap3A, %swap3A_40] : memref<1x1xf32, #tpu.memory_space<vmem>>, vector<1x1xf32>
    tpu.vector_store %arg3[%swap3A, %swap3A_40], %broadcast_in_dim3A_39 {strides = array<i32>} : memref<1x1xf32, #tpu.memory_space<vmem>>, vector<1x1xf32>,
    return
  }
}

</mosaic_0001>

<sc_bundles>
// kernel: kernel.5.cloned.1.call-start
scs
__scs_entry_jumppad:
0x0: {  	(pc) =	sbr.rel $0x88, $3  }
0x1: {  	(tag) =	ssettag $0x0;
	lr =	simm.s32 $0x1  }
0x2: {  	[smem:$0x3F9D] =	sst lr;
	_ =	strace $0xD0000000  }
0x3: {  	_ = 	snop  }
0x4: {  	_ = 	snop  }
0x5: {  	_ = 	snop  }
0x6: {  	_ = 	snop  }
0x7: {  	_ = 	snop  }
__scs_overlays_trampoline_lowered:
0x8: {  	[smem:$0x3FAC] =	sst s0  }
0x9: {  	[smem:$0x3FAD] =	sst s1  }
0xa: {  	[smem:$0x3FAE] =	sst s2  }
0xb: {  	[smem:$0x3FAF] =	sst s3  }
0xc: {  	[smem:$0x3FB0] =	sst s4  }
0xd: {  	[smem:$0x3FB1] =	sst s5  }
0xe: {  	[smem:$0x3FB2] =	sst s6  }
0xf: {  	[smem:$0x3FB3] =	sst s7  }
0x10: {  	[smem:$0x3FB4] =	sst s8  }
0x11: {  	[smem:$0x3FB5] =	sst s9;
	s0 =	simm.s32 @!p0 $0x0  }
0x12: {  	s1 =	sld [smem:$0x3F9B];
	s0 =	simm.s32 @p0 $0x1  }
0x13: {  	[smem:$0x3FB6] =	sst s0;
	s0 =	simm.s32 @!p1 $0x0  }
0x14: {  	s2 =	sld [smem:$0x3F9A];
	s0 =	simm.s32 @p1 $0x1  }
0x15: {  	[smem:$0x3FB7] =	sst s0;
	s0 =	simm.s32 @!p2 $0x0  }
0x16: {  	s3 =	sld [smem:$0x3FDB];
	s0 =	simm.s32 @p2 $0x1  }
0x17: {  	s4 =	simm.s32 $0x1BF5;
	[smem:$0x3FB9] =	sst s0  }
0x18: {  	s0 =	sld [smem:$0x3F9C];
	_ =	swait.ge [sflag:s4], $0x0  }
0x19: {  	s7 =	sld [smem:$0x3F9D]  }
0x1a: {  	s8 =	sadd.s32 $0xFFFFE003, lr  }
0x1b: {  	s9 =	sadd.s32 $0xFFFFFEF7, lr;
	s5 =	simm.s32 $0xFFFFFFFF;
	p2 =	slt.u32 s8, $0xFFFFF086  }
0x1c: {  	p1 =	slt.u32 s9, $0xF7A;
	s5 =	simm.s32 @!p2 $0x0  }
0x1d: {  	s5 =	simm.s32 @p1 $0x1;
	p0 =	seq.s32 s7, s2  }
0x1e: {  	s7 =	smul.u32 @!p0 $0xF7A, s2;
	p2 =	seq.s32 @!p0 s5, $0x0  }
0x1f: {  	s9 =	smul.u32 $0xF7A, s1;
	s8 =	simm.s32 @!p0 $0x1BF5;
	p2 =	por !p2, p0  }
0x20: {  	[sflag:s8] =	ssyncset.s32 @!p0 $0xFFFFF086;
	s6 =	sadd.s32 @!p0 s3, s7;
	s7 =	simm.s32 @!p0 $0x108  }
0x21: {  	s3 =	sadd.s32 s3, s9;
	s6 =	sadd.s32 @!p0 $0x88, s6;
	s7 =	simm.s32 @p2 $0x1082  }
0x22: {  	[simem:s7], [sflag:s8] =	dma.local @!p0 [hbm:s6], $0xF7A  }
0x23: {  	s9 =	sor.u32 $0xD0000000, s2;
	s6 =	simm.s32 $0x108;
	_ =	swait.ge @!p0 [sflag:s8], $0x0  }
0x24: {  	s3 =	sadd.s32 $0x88, s3;
	s6 =	simm.s32 @!p1 $0x1082;
	[sflag:s4] =	ssyncset.s32 $0xFFFFF086  }
0x25: {  	[simem:s6], [sflag:s4] =	dma.local [hbm:s3], $0xF7A  }
0x26: {  	[smem:$0x3F9D] =	sst s1;
	(tag) =	ssettag s2;
	_ =	strace s9  }
0x27: {  	s1 =	sld [smem:$0x3FAD]  }
0x28: {  	s2 =	sld [smem:$0x3FAE]  }
0x29: {  	s4 =	sld [smem:$0x3FB0]  }
0x2a: {  	p0 =	seq.s32 s5, $0x0;
	s5 =	sld [smem:$0x3FB1]  }
0x2b: {  	s6 =	sld [smem:$0x3FB2]  }
0x2c: {  	s7 =	sld [smem:$0x3FB3]  }
0x2d: {  	s3 =	simm.s32 $0x108;
	s8 =	sld [smem:$0x3FB4]  }
0x2e: {  	s3 =	simm.s32 @!p0 $0x1082;
	s9 =	sld [smem:$0x3FB5]  }
0x2f: {  	lr =	sadd.s32 s0, s3;
	s0 =	sld [smem:$0x3FAC]  }
0x30: {  	s3 =	sld [smem:$0x3FAF]  }
0x31: {  	[smem:$0x3FB8] =	sst s10  }
0x32: {  	s10 =	sld [smem:$0x3FB6];
	_ =	sdelay $0x3  }
0x33: {  	p0 =	seq.s32 s10, $0x1;
	s10 =	sld [smem:$0x3FB8];
	_ =	sdelay $0x3  }
0x34: {  	[smem:$0x3FB8] =	sst s10  }
0x35: {  	s10 =	sld [smem:$0x3FB7];
	_ =	sdelay $0x3  }
0x36: {  	p1 =	seq.s32 s10, $0x1;
	s10 =	sld [smem:$0x3FB8];
	_ =	sdelay $0x3  }
0x37: {  	[smem:$0x3FB8] =	sst s10  }
0x38: {  	s10 =	sld [smem:$0x3FB9]  }
0x39: {  	_ = 	snop;
	(pc) =	sbr.ind lr, $3  }
0x3a: {  	_ = 	snop  }
0x3b: {  	_ = 	snop  }
0x3c: {  	p2 =	seq.s32 s10, $0x1;
	s10 =	sld [smem:$0x3FB8]  }
0x3d: {  	_ =	shalt  }
0x3e: {  	_ =	shalt  }
0x3f: {  	_ =	shalt  }
0x40: {  	_ =	shalt  }
0x41: {  	_ =	shalt  }
0x42: {  	_ =	shalt  }
0x43: {  	_ =	shalt  }
0x44: {  	_ =	shalt  }
0x45: {  	_ =	shalt  }
0x46: {  	_ =	shalt  }
0x47: {  	_ =	shalt  }
0x48: {  	_ =	shalt  }
0x49: {  	_ =	shalt  }
0x4a: {  	_ =	shalt  }
0x4b: {  	_ =	shalt  }
0x4c: {  	_ =	shalt  }
0x4d: {  	_ =	shalt  }
0x4e: {  	_ =	shalt  }
0x4f: {  	_ =	shalt  }
0x50: {  	_ =	shalt  }
0x51: {  	_ =	shalt  }
0x52: {  	_ =	shalt  }
0x53: {  	_ =	shalt  }
0x54: {  	_ =	shalt  }
0x55: {  	_ =	shalt  }
0x56: {  	_ =	shalt  }
0x57: {  	_ =	shalt  }
0x58: {  	_ =	shalt  }
0x59: {  	_ =	shalt  }
0x5a: {  	_ =	shalt  }
0x5b: {  	_ =	shalt  }
0x5c: {  	_ =	shalt  }
0x5d: {  	_ =	shalt  }
0x5e: {  	_ =	shalt  }
0x5f: {  	_ =	shalt  }
0x60: {  	_ =	shalt  }
0x61: {  	_ =	shalt  }
0x62: {  	_ =	shalt  }
0x63: {  	_ =	shalt  }
0x64: {  	_ =	shalt  }
0x65: {  	_ =	shalt  }
0x66: {  	_ =	shalt  }
0x67: {  	_ =	shalt  }
0x68: {  	_ =	shalt  }
0x69: {  	_ =	shalt  }
0x6a: {  	_ =	shalt  }
0x6b: {  	_ =	shalt  }
0x6c: {  	_ =	shalt  }
0x6d: {  	_ =	shalt  }
0x6e: {  	_ =	shalt  }
0x6f: {  	_ =	shalt  }
0x70: {  	_ =	shalt  }
0x71: {  	_ =	shalt  }
0x72: {  	_ =	shalt  }
0x73: {  	_ =	shalt  }
0x74: {  	_ =	shalt  }
0x75: {  	_ =	shalt  }
0x76: {  	_ =	shalt  }
0x77: {  	_ =	shalt  }
0x78: {  	_ =	shalt  }
0x79: {  	_ =	shalt  }
0x7a: {  	_ =	shalt  }
0x7b: {  	_ =	shalt  }
0x7c: {  	_ =	shalt  }
0x7d: {  	_ =	shalt  }
0x7e: {  	_ =	shalt  }
0x7f: {  	_ =	shalt  }
0x80: {  	_ =	shalt  }
0x81: {  	_ =	shalt  }
0x82: {  	_ =	shalt  }
0x83: {  	_ =	shalt  }
0x84: {  	_ =	shalt  }
0x85: {  	_ =	shalt  }
0x86: {  	_ =	shalt  }
0x87: {  	_ =	shalt  }
.Lfunc_end0:
.L_simem_size_0:
called_computation_lowered:
.L_overlay_start_0:
0x88: {  	s2 =	sld [smem:$0x3FD9]  }
0x89: {  	s3 =	sld [smem:$0x3FFE];
	_ =	sdelay $0x1  }
0x8a: {  	s1 =	srdreg.scid  }
0x8b: {  	s0 =	sand.u32 $0x1, s1  }
0x8c: {  	s17 =	sshll.u32 s0, $0xA;
	s2 =	sadd.s32 s3, s2  }
0x8d: {  	s2 =	sadd.s32 s2, s17  }
0x8e: {  	[smem:$0x3FC4] =	sst s2  }
0x8f: {  	_ = 	snop  }
0x90: {  	s2 =	sld [smem:$0x3FC7];
	(tm) =	ssettm $0x1  }
0x91: {  	s18 =	sld [smem:$0x3FFB];
	_ =	sdelay $0x3  }
0x92: {  	_ =	strace s18  }
0x93: {  	s3 =	sld [smem:$0x3FFC];
	_ =	sdelay $0x3  }
0x94: {  	_ =	strace s3  }
0x95: {  	s3 =	sld [smem:$0x3FFD];
	_ =	sdelay $0x3  }
0x96: {  	_ =	strace s3  }
0x97: {  	_ =	strace $0x8FFFFFFF  }
0x98: {  	s19 =	sld [smem:$0x3FDB];
	_ =	sdelay $0x1  }
0x99: {  	s4 =	simm.s32 $_scs_section_size  }
0x9a: {  	s5 =	simm.s32 $_size__tile_overlayer_lowered;
	s6 =	simm.s32 $_tile_overlayer_lowered  }
0x9b: {  	s22 =	simm.s32 $0x1BFF;
	s21 =	sshll.u32 s6, $0x1;
	s3 =	sadd.s32 s4, s19  }
0x9c: {  	s7 =	simm.s32 $0x0;
	s20 =	sshll.u32 s5, $0x1;
	s5 =	sadd.s32 s21, s3  }
0x9d: {  	[timem:s7], [sflag:s22] =	dma.local [hbm:s5], s20  }
0x9e: {  	_ =	swait.ge [sflag:s22], s20  }
0x9f: {  	s4 =	ssub.s32 $0x0, s20;
	[sflag:s22] =	ssyncset.done $0x0  }
0xa0: {  	[sflag:s22] =	ssyncadd.s32 s4;
	_ =	sdelay $0x1  }
0xa1: {  	s23 =	simm.s32 $0x1B8B  }
0xa2: {  	_ =	swait.ge [sflag:s23], $0x1  }
0xa3: {  	[sflag:s23] =	ssyncset.done $0x0  }
0xa4: {  	s25 =	simm.s32 $0x1B8E;
	s24 =	sld [smem:$0x3FFE];
	[sflag:s23] =	ssyncadd.s32 $0xFFFFFFFF  }
0xa5: {  	s26 =	simm.s32 $execute0_lowered;
	[smem:$0x3FD2] =	sst s25  }
0xa6: {  	s5 =	sshll.u32 s26, $0x1;
	_ =	strace $0x80000046;
	[dreg:$0x1] =	wrdreg $0xFFFFFFFF  }
0xa7: {  	s28 =	simm.s32 $_size_execute0_lowered;
	s3 =	sadd.s32 s3, s5;
	[dreg:$0x0] =	wrdreg $0x0  }
0xa8: {  	s5 =	sshll.u32 s28, $0x1;
	[dreg:$0x2] =	wrdreg s3  }
0xa9: {  	[dreg:$0x3] =	wrdreg s5  }
0xaa: {  	[dreg:$0x4] =	wrdreg $0xC0  }
0xab: {  	_ =	task [dreg:s7], $0x5FFFF  }
0xac: {  	[dreg:$0x1] =	wrdreg $0xFFFFFFFF  }
0xad: {  	[dreg:$0x0] =	wrdreg $0x60  }
0xae: {  	[dreg:$0x2] =	wrdreg s24  }
0xaf: {  	[dreg:$0x3] =	wrdreg s2  }
0xb0: {  	[dreg:$0x4] =	wrdreg $0x9  }
0xb1: {  	_ =	task.clear_ibuf [dreg:s7], $0x5FFFF;
	_ =	strace $0x90000046  }
0xb2: {  	s29 =	simm.s32 $0x9;
	_ =	strace $0x80000048  }
0xb3: {  	_ =	swait.ge [sflag:s29], $0x1  }
0xb4: {  	[sflag:s29] =	ssyncadd.s32 $0xFFFFFFFF  }
0xb5: {  	_ =	strace $0x90000048  }
0xb6: {  	_ =	sfence  }
0xb7: {  	s30 =	sld [smem:$0x0];
	_ =	sdelay $0x2  }
0xb8: {  	s31 =	sshll.u32 s1, $0xD;
	s1 =	sshrl.u32 s1, $0x2  }
0xb9: {  	s3 =	sand.u32 $0x4000, s31;
	s1 =	sadd.s32 s1, s30  }
0xba: {  	s0 =	sor.u32 s3, s0;
	s1 =	sshll.u32 s1, $0x11  }
0xbb: {  	s0 =	sor.u32 s1, s0  }
0xbc: {  	s0 =	sadd.s32 $0x8F2B, s0  }
0xbd: {  	[sflag:s0] =	ssyncadd.remote.s32 $0x1  }
0xbe: {  	_ =	sfence.sel $0xFFFF  }
0xbf: {  	[dreg:$0x0] =	wrdreg $0xFFFFFFFF;
	(pc) =	sbr.abs _section_cstart, $3  }
0xc0: {  	[dreg:$0x1] =	wrdreg $0xFFFFFFFF  }
0xc1: {  	_ =	task.clear_ibuf [dreg:s7], $0x2FFFF;
	_ =	strace $0x9FFFFFFF  }
0xc2: {  	(tm) =	ssettm $0x7FFFFFFF  }
0xc3: {  	_ =	shalt  }
tec
execute0_lowered:
.L_overlay_start_1:
0x0: {  	(tag) =	ssettag $0x1  }
0x1: {  	s6 =	rddreg [dreg:$0x0]  }
0x2: {  	s7 =	rddreg [dreg:$0x1];
	s3 =	srdreg.scid;
	s2 =	simm.s32 $0x0  }
0x3: {  	s0 =	stileid.u32;
	s15 =	simm.s32 $0x80;
	s16 =	simm.s32 $0x400  }
0x4: {  	s17 =	simm.s32 $0x18800;
	s18 =	simm.s32 $0xC400;
	s19 =	simm.s32 $0x19800  }
0x5: {  	s20 =	simm.s32 $0x1;
	s21 =	simm.s32 $0x2;
	s22 =	simm.s32 $0x1A880  }
0x6: {  	s23 =	simm.s32 $0x0;
	s8 =	sand.u32 $0x1, s3;
	[smem:$0x7FF] =	sst s2  }
0x7: {  	s4 =	sshll.u32 s0, $0x6;
	s3 =	sadd.s32 $0x1200, s6;
	s5 =	sshll.u32 s8, $0x5  }
0x8: {  	_ =	strace $0x80000047;
	s8 =	ssub.s32 $0x2, s8;
	s4 =	sor.u32 s5, s4  }
0x9: {  	s5 =	sadd.s32 $0x621200, s6;
	s11 =	sshrl.u32 s8, $0x1;
	s9 =	sshrl.u32 s4, $0x3  }
.Ltmp0:
0xa: {  	s10 =	sshll.u32 s4, $0x4;
	s31 =	sshll.u32 s4, $0x9;
	(pc) =	sbr.rel .LBB2_1-.Ltmp0, $4  }
0xb: {  	s14 =	ssub.s32 s8, s11;
	s12 =	smul.u32 $0xC400, s9;
	s8 =	sadd.s32 s5, s31  }
0xc: {  	s13 =	sadd.s32 s10, s6;
	s6 =	sadd.s32 s7, s9;
	s10 =	sadd.s32 $0x10, s8  }
0xd: {  	s11 =	sadd.s32 $0x6A1200, s13;
	s13 =	simm.s32 $0x1A800;
	s7 =	sadd.s32 s3, s12  }
0xe: {  	v0 =	vimm.s32 $0x0;
	s12 =	smax.u32 s14, $0x1;
	s14 =	simm.s32 $0x3;
	s9 =	sadd.s32 $0x10, s7  }
.LBB2_8:
0xf: {  	s23 =	sadd.s32 $0x1, s23  }
0x10: {  	p0 =	sne.s32 s23, s12  }
.Ltmp1:
0x11: {  	_ = 	snop;
	(pc) =	sbr.rel @!p0 .LBB2_9-.Ltmp1, $4  }
0x12: {  	[hbm4b:s11+s2] =	stream.linear.scatter [tilespmem:s22], [sflag:$0x3], $0x1000, $0x38;
	[tilespmem:$0x1B880] =	vst v63  }
0x13: {  	_ =	swait.ge [sflag:s14], $0x1000  }
0x14: {  	[sflag:s14] =	ssyncset.done $0x0  }
0x15: {  	[sflag:s14] =	ssyncadd.s32 $0xFFFFF000  }
.LBB2_1:
0x16: {  	[tilespmem:s13], [sflag:$0x3] =	stream.linear.gather [hbm4b:s6+s2], $0x20, $0x38;
	[tilespmem:$0x1B880] =	vst v63  }
0x17: {  	_ =	swait.ge [sflag:s14], $0x20  }
0x18: {  	[sflag:s14] =	ssyncset.done $0x0  }
0x19: {  	[sflag:s14] =	ssyncadd.s32 $0xFFFFFFE0  }
0x1a: {  	[tilespmem:s2], [sflag:$0x1] =	stream.strided.gather [hbm4b:s7+s15], $0xC400, s16, s15, $0x38;
	[tilespmem:$0x1B880] =	vst v63  }
0x1b: {  	_ = 	snop  }
0x1c: {  	[tilespmem:s17], [sflag:$0x1] =	stream.strided.gather [hbm4b:s8+s15], $0x1000, s16, s15, $0x38;
	[tilespmem:$0x1B880] =	vst v63  }
0x1d: {  	_ = 	snop  }
0x1e: {  	[tilespmem:s18], [sflag:$0x2] =	stream.strided.gather [hbm4b:s9+s15], $0xC400, s16, s15, $0x38;
	[tilespmem:$0x1B880] =	vst v63  }
0x1f: {  	s24 =	simm.s32 $0x0  }
0x20: {  	[tilespmem:s19], [sflag:$0x2] =	stream.strided.gather [hbm4b:s10+s15], $0x1000, s16, s15, $0x38;
	[tilespmem:$0x1B880] =	vst v63  }
.LBB2_2:
0x21: {  	s26 =	sshll.u32 s24, $0x1;
	_ =	swait.ge [sflag:s20], $0xC400  }
0x22: {  	v1 =	vmov s26;
	[sflag:s20] =	ssyncset.done $0x0  }
0x23: {  	v1 =	vbroadcast v1, $0x0;
	[sflag:s20] =	ssyncadd.s32 $0xFFFF3C00  }
0x24: {  	_ =	swait.ge [sflag:s20], $0x1000  }
0x25: {  	[sflag:s20] =	ssyncset.done $0x0  }
0x26: {  	s25 =	simm.s32 $0x18820;
	[sflag:s20] =	ssyncadd.s32 $0xFFFFF000  }
0x27: {  	v2 =	vld [tilespmem:s25+$0x10]  }
0x28: {  	v3 =	vld [tilespmem:s25+$0xFFFFFFF0]  }
0x29: {  	v1 =	vld.idx.msk [tilespmem:v1+s13+$0x0], $0xffff  }
0x2a: {  	v4 =	vld [tilespmem:s25+$0x0]  }
0x2b: {  	v5 =	vld [tilespmem:s25+$0xFFFFFFE0];
	_ =	sdelay $0x2  }
0x2c: {  	vm0 =	vge.s32 v2, v1;
	vm1 =	vge.s32 v3, v1  }
0x2d: {  	v6 =	vsel vm0, $0x1, v0;
	v7 =	vsel vm1, $0x1, v0  }
0x2e: {  	vm0 =	vge.s32 v4, v1;
	vm1 =	vge.s32 v5, v1;
	v6 =	vadd.s32 v6, v2  }
0x2f: {  	v2 =	vsel vm0, $0x1, v0;
	v9 =	vsel vm1, $0x1, v0;
	v3 =	vadd.s32 v7, v3  }
0x30: {  	v8 =	vshrl.u32 v6, $0x1;
	v10 =	vand.u32 $0x3FF, v6;
	v5 =	vadd.s32 v9, v5  }
0x31: {  	v9 =	vshrl.u32 v3, $0x1;
	v4 =	vadd.s32 v2, v4;
	v8 =	vand.u32 $0x7FFFFC00, v8  }
0x32: {  	v7 =	vor.u32 v10, v8;
	v8 =	vshrl.u32 v5, $0x1;
	v10 =	vshrl.u32 v4, $0x1  }
0x33: {  	v2 =	vand.u32 $0x7FFFFC00, v8;
	v8 =	vand.u32 $0x7FFFFC00, v9;
	v9 =	vand.u32 $0x3FF, v5  }
0x34: {  	v2 =	vor.u32 v9, v2;
	v9 =	vand.u32 $0x7FFFFC00, v10;
	v10 =	vand.u32 $0x3FF, v4  }
0x35: {  	v9 =	vor.u32 v10, v9;
	_ =	sdelay $0x1  }
0x36: {  	v7 =	vld.idx.msk [tilespmem:v7+s2+$0x0], $0xffff;
	_ =	sdelay $0x1  }
0x37: {  	v5 =	vand.u32 $0x400, v5;
	v10 =	vld.idx.msk [tilespmem:v2+s2+$0x0], $0xffff  }
0x38: {  	vm2 =	veq.s32 v5, $0x0;
	v5 =	vand.u32 $0x400, v6;
	v6 =	vld.idx.msk [tilespmem:v9+s2+$0x0], $0xffff  }
0x39: {  	s30 =	simm.s32 $0x18860;
	v11 =	vand.u32 $0x3FF, v3;
	v3 =	vand.u32 $0x400, v3;
	v4 =	vand.u32 $0x400, v4  }
0x3a: {  	vm0 =	veq.s32 v5, $0x0;
	v9 =	vld [tilespmem:s30+$0x10];
	v5 =	vand.u32 $0xFFFF0000, v7;
	v7 =	vshll.u32 v7, $0x10  }
0x3b: {  	v8 =	vor.u32 v11, v8;
	vm1 =	veq.s32 v4, $0x0;
	v5 =	vsel vm0, v7, v5;
	v7 =	vld [tilespmem:s30+$0xFFFFFFF0]  }
0x3c: {  	v4 =	vld [tilespmem:s30+$0x0];
	vm1 =	vmmov vm1;
	vm0 =	veq.s32 v3, $0x0;
	v3 =	vmul.f32 $1.428571410e+01, v5  }
0x3d: {  	v5 =	vld [tilespmem:s30+$0xFFFFFFE0];
	v11 =	vand.u32 $0xFFFF0000, v10;
	v12 =	vand.u32 $0xFFFF0000, v6;
	v6 =	vshll.u32 v6, $0x10  }
0x3e: {  	v10 =	vshll.u32 v10, $0x10;
	v3 =	vmul.f32 $1.442695020e+00, v3;
	v6 =	vsel vm1, v6, v12  }
0x3f: {  	v10 =	vsel vm2, v10, v11;
	vm2 =	vge.s32 v9, v1;
	v6 =	vmul.f32 $1.428571410e+01, v6  }
0x40: {  	(erf) = vpow2.f32 v3;
	vm3 =	vge.s32 v7, v1;
	v3 =	vsel vm2, $0x1, v0  }
0x41: {  	vm2 =	vge.s32 v4, v1;
	v13 =	vsel vm3, $0x1, v0;
	v3 =	vadd.s32 v3, v9  }
0x42: {  	vm3 =	vge.s32 v5, v1;
	v9 =	vsel vm2, $0x1, v0;
	v14 =	vshrl.u32 v3, $0x1  }
0x43: {  	v15 =	vsel vm3, $0x1, v0;
	v16 =	vand.u32 $0x3FF, v3;
	v7 =	vadd.s32 v13, v7  }
0x44: {  	v8 =	vld.idx.msk [tilespmem:v8+s2+$0x0], $0xffff;
	v4 =	vadd.s32 v9, v4;
	v14 =	vand.u32 $0x7FFFFC00, v14;
	v5 =	vadd.s32 v15, v5  }
0x45: {  	v15 =	vshrl.u32 v7, $0x1;
	v13 =	vor.u32 v16, v14;
	v14 =	vshrl.u32 v5, $0x1  }
0x46: {  	v9 =	vand.u32 $0x7FFFFC00, v14;
	v14 =	vand.u32 $0x7FFFFC00, v15;
	v15 =	vand.u32 $0x3FF, v5  }
0x47: {  	v56 =	vshrl.u32 v4, $0x1;
	v17 =	vand.u32 $0x3FF, v7;
	v9 =	vor.u32 v15, v9  }
0x48: {  	v57 =	vand.u32 $0x3FF, v4;
	v15 =	vand.u32 $0x7FFFFC00, v56;
	v14 =	vor.u32 v17, v14  }
0x49: {  	v2 =	vimm.f32 $0.0e+00;
	v11 =	vand.u32 $0xFFFF0000, v8;
	v15 =	vor.u32 v57, v15  }
0x4a: {  	v8 =	vshll.u32 v8, $0x10;
	v6 =	vmul.f32 $1.442695020e+00, v6;
	v5 =	vand.u32 $0x400, v5;
	v13 =	vld.idx.msk [tilespmem:v13+s2+$0x0], $0xffff  }
0x4b: {  	vm3 =	veq.s32 v5, $0x0;
	v5 =	vsel vm0, v8, v11;
	v8 =	vmul.f32 $1.428571410e+01, v10  }
0x4c: {  	v3 =	vand.u32 $0x400, v3;
	v7 =	vand.u32 $0x400, v7;
	v5 =	vmul.f32 $1.428571410e+01, v5;
	v9 =	vld.idx.msk [tilespmem:v9+s2+$0x0], $0xffff  }
0x4d: {  	v4 =	vand.u32 $0x400, v4;
	vm2 =	veq.s32 v7, $0x0;
	v8 =	vmul.f32 $1.442695020e+00, v8;
	v58 =	vpop (erf);
	v10 =	vld.idx.msk [tilespmem:v14+s2+$0x0], $0xffff  }
0x4e: {  	s31 =	simm.s32 $0x188A0;
	vm0 =	veq.s32 v3, $0x0;
	v5 =	vmul.f32 $1.442695020e+00, v5;
	v59 =	vadd.f32 v58, v2;
	v11 =	vld.idx.msk [tilespmem:v15+s2+$0x0], $0xffff  }
0x4f: {  	(erf) = vpow2.f32 v8;
	v3 =	vand.u32 $0xFFFF0000, v13;
	v12 =	vshll.u32 v13, $0x10;
	v13 =	vld [tilespmem:s31+$0x10]  }
0x50: {  	(erf) = vpow2.f32 v5;
	v3 =	vsel vm0, v12, v3;
	vm0 =	veq.s32 v4, $0x0;
	v4 =	vld [tilespmem:s31+$0xFFFFFFF0]  }
0x51: {  	v5 =	vld [tilespmem:s31+$0x0];
	(erf) = vpow2.f32 v6;
	v3 =	vmul.f32 $1.428571410e+01, v3;
	vm4 =	vmmov vm0  }
0x52: {  	v6 =	vld [tilespmem:s31+$0xFFFFFFE0];
	v7 =	vand.u32 $0xFFFF0000, v9;
	v8 =	vshll.u32 v9, $0x10;
	v9 =	vshll.u32 v10, $0x10  }
0x53: {  	v7 =	vsel vm3, v8, v7;
	v8 =	vand.u32 $0xFFFF0000, v10;
	v3 =	vmul.f32 $1.442695020e+00, v3  }
0x54: {  	v10 =	vand.u32 $0xFFFF0000, v11;
	v11 =	vshll.u32 v11, $0x10;
	v7 =	vmul.f32 $1.428571410e+01, v7  }
0x55: {  	vm0 =	vge.s32 v13, v1;
	(erf) = vpow2.f32 v3;
	vm1 =	vge.s32 v4, v1  }
0x56: {  	v3 =	vsel vm0, $0x1, v0;
	vm0 =	vge.s32 v5, v1;
	v12 =	vsel vm1, $0x1, v0  }
0x57: {  	v13 =	vadd.s32 v3, v13;
	vm1 =	vge.s32 v6, v1;
	v3 =	vsel vm0, $0x1, v0  }
0x58: {  	v14 =	vshrl.u32 v13, $0x1;
	v15 =	vsel vm1, $0x1, v0;
	v60 =	vand.u32 $0x3FF, v13  }
0x59: {  	v4 =	vadd.s32 v12, v4;
	v5 =	vadd.s32 v3, v5;
	v14 =	vand.u32 $0x7FFFFC00, v14  }
0x5a: {  	v13 =	vand.u32 $0x400, v13;
	v15 =	vadd.s32 v15, v6;
	v12 =	vor.u32 v60, v14  }
0x5b: {  	v61 =	vshrl.u32 v4, $0x1;
	v19 =	vshrl.u32 v5, $0x1;
	v21 =	vand.u32 $0x3FF, v4  }
0x5c: {  	v4 =	vand.u32 $0x400, v4;
	v6 =	vshrl.u32 v15, $0x1;
	v17 =	vand.u32 $0x7FFFFC00, v61  }
0x5d: {  	v20 =	vand.u32 $0x3FF, v15;
	v3 =	vand.u32 $0x7FFFFC00, v6;
	v17 =	vor.u32 v21, v17  }
0x5e: {  	v19 =	vand.u32 $0x7FFFFC00, v19;
	v20 =	vor.u32 v20, v3;
	v3 =	vand.u32 $0x3FF, v5  }
0x5f: {  	v15 =	vand.u32 $0x400, v15;
	vm0 =	veq.s32 v4, $0x0;
	v19 =	vor.u32 v3, v19;
	v63 =	vld.idx.msk [tilespmem:v12+s2+$0x0], $0xffff  }
0x60: {  	v4 =	vsel vm2, v9, v8;
	vm2 =	veq.s32 v13, $0x0;
	vm1 =	veq.s32 v15, $0x0;
	v14 =	vpop (erf)  }
0x61: {  	v15 =	vmul.f32 $1.428571410e+01, v4;
	v4 =	vsel vm4, v11, v10;
	v5 =	vand.u32 $0x400, v5;
	v18 =	vpop (erf)  }
0x62: {  	v10 =	vmul.f32 $1.428571410e+01, v4;
	vm3 =	veq.s32 v5, $0x0;
	v4 =	vadd.f32 v14, v2;
	v6 =	vpop (erf);
	v9 =	vld.idx.msk [tilespmem:v17+s2+$0x0], $0xffff  }
0x63: {  	v11 =	vmul.f32 $1.442695020e+00, v15;
	v5 =	vadd.f32 v18, v2;
	v62 =	vpop (erf);
	v12 =	vmul.f32 $1.442695020e+00, v7;
	v8 =	vld.idx.msk [tilespmem:v20+s2+$0x0], $0xffff  }
0x64: {  	s28 =	simm.s32 $0x188E0;
	s25 =	simm.s32 $0x8;
	v3 =	vadd.f32 v62, v59;
	v7 =	vld.idx.msk [tilespmem:v19+s2+$0x0], $0xffff;
	v13 =	vand.u32 $0xFFFF0000, v63;
	v14 =	vshll.u32 v63, $0x10  }
.LBB2_3:
0x65: {  	v15 =	vld [tilespmem:s28+$0x10];
	s25 =	sadd.s32 $0x4, s25;
	v13 =	vsel vm2, v14, v13;
	v10 =	vmul.f32 $1.442695020e+00, v10;
	(erf) = vpow2.f32 v12  }
0x66: {  	v2 =	vadd.f32 v6, v2;
	v12 =	vld [tilespmem:s28+$0xFFFFFFF0];
	p0 =	slt.u32 s25, $0xFC;
	v13 =	vmul.f32 $1.428571410e+01, v13;
	(erf) = vpow2.f32 v11  }
0x67: {  	vm2 =	vmmov vm3;
	v6 =	vld [tilespmem:s28+$0x0];
	(erf) = vpow2.f32 v10  }
0x68: {  	v11 =	vand.u32 $0xFFFF0000, v8;
	v8 =	vshll.u32 v8, $0x10;
	v10 =	vld [tilespmem:s28+$0xFFFFFFE0];
	v13 =	vmul.f32 $1.442695020e+00, v13  }
0x69: {  	v8 =	vsel vm1, v8, v11;
	v11 =	vand.u32 $0xFFFF0000, v9;
	v9 =	vshll.u32 v9, $0x10  }
0x6a: {  	v14 =	vand.u32 $0xFFFF0000, v7;
	vm1 =	vge.s32 v15, v1;
	(erf) = vpow2.f32 v13  }
0x6b: {  	v7 =	vshll.u32 v7, $0x10;
	vm3 =	vge.s32 v12, v1;
	v13 =	vsel vm1, $0x1, v0  }
0x6c: {  	v16 =	vsel vm3, $0x1, v0;
	vm1 =	vge.s32 v6, v1;
	v13 =	vadd.s32 v13, v15  }
0x6d: {  	vm3 =	vge.s32 v10, v1;
	v15 =	vsel vm1, $0x1, v0;
	v22 =	vshrl.u32 v13, $0x1  }
0x6e: {  	v19 =	vand.u32 $0x3FF, v13;
	v18 =	vsel vm3, $0x1, v0;
	v21 =	vand.u32 $0x7FFFFC00, v22;
	v20 =	vpop (erf)  }
0x6f: {  	v12 =	vadd.s32 v16, v12;
	v10 =	vadd.s32 v18, v10;
	v16 =	vor.u32 v19, v21;
	v17 =	vpop (erf)  }
0x70: {  	v15 =	vadd.s32 v15, v6;
	v19 =	vshrl.u32 v12, $0x1;
	v18 =	vshrl.u32 v10, $0x1;
	v6 =	vpop (erf)  }
0x71: {  	v21 =	vshrl.u32 v15, $0x1;
	v19 =	vand.u32 $0x7FFFFC00, v19;
	v18 =	vand.u32 $0x7FFFFC00, v18  }
0x72: {  	v24 =	vand.u32 $0x3FF, v12;
	v22 =	vand.u32 $0x3FF, v10;
	v21 =	vand.u32 $0x7FFFFC00, v21  }
0x73: {  	v19 =	vor.u32 v24, v19;
	v18 =	vor.u32 v22, v18;
	v22 =	vand.u32 $0x3FF, v15;
	v23 =	vpop (erf)  }
0x74: {  	v10 =	vand.u32 $0x400, v10;
	v21 =	vor.u32 v22, v21;
	v16 =	vld.idx.msk [tilespmem:v16+s2+$0x0], $0xffff;
	v3 =	vadd.f32 v23, v3  }
0x75: {  	vm1 =	veq.s32 v10, $0x0;
	v10 =	vand.u32 $0x400, v12;
	v12 =	vand.u32 $0x400, v15  }
.Ltmp2:
0x76: {  	v9 =	vsel vm0, v9, v11;
	vm3 =	veq.s32 v12, $0x0;
	vm0 =	veq.s32 v10, $0x0;
	(pc) =	sbr.rel @p0 .LBB2_3-.Ltmp2, $4  }
0x77: {  	v11 =	vmul.f32 $1.428571410e+01, v8;
	v7 =	vsel vm2, v7, v14;
	v15 =	vmul.f32 $1.428571410e+01, v9  }
0x78: {  	v4 =	vadd.f32 v20, v4;
	v5 =	vadd.f32 v17, v5;
	v10 =	vmul.f32 $1.428571410e+01, v7;
	v8 =	vld.idx.msk [tilespmem:v18+s2+$0x0], $0xffff  }
0x79: {  	v13 =	vand.u32 $0x400, v13;
	v12 =	vmul.f32 $1.442695020e+00, v11;
	v11 =	vmul.f32 $1.442695020e+00, v15;
	v9 =	vld.idx.msk [tilespmem:v19+s2+$0x0], $0xffff  }
0x7a: {  	s28 =	sadd.s32 $0x40, s28;
	vm2 =	veq.s32 v13, $0x0;
	v13 =	vand.u32 $0xFFFF0000, v16;
	v14 =	vshll.u32 v16, $0x10;
	v7 =	vld.idx.msk [tilespmem:v21+s2+$0x0], $0xffff  }
0x7b: {  	v1 =	vmul.f32 $1.442695020e+00, v10;
	(erf) = vpow2.f32 v12;
	v10 =	vsel vm2, v14, v13  }
0x7c: {  	vm2 =	vmmov vm3;
	(erf) = vpow2.f32 v11;
	v10 =	vmul.f32 $1.428571410e+01, v10  }
0x7d: {  	(erf) = vpow2.f32 v1;
	v1 =	vand.u32 $0xFFFF0000, v8;
	v8 =	vshll.u32 v8, $0x10  }
0x7e: {  	v1 =	vsel vm1, v8, v1;
	v8 =	vand.u32 $0xFFFF0000, v9;
	v9 =	vshll.u32 v9, $0x10  }
0x7f: {  	v10 =	vmul.f32 $1.442695020e+00, v10;
	v8 =	vsel vm0, v9, v8;
	v1 =	vmul.f32 $1.428571410e+01, v1  }
0x80: {  	v9 =	vand.u32 $0xFFFF0000, v7;
	v7 =	vshll.u32 v7, $0x10;
	v8 =	vmul.f32 $1.428571410e+01, v8  }
0x81: {  	(erf) = vpow2.f32 v10;
	v7 =	vsel vm2, v7, v9;
	v1 =	vmul.f32 $1.442695020e+00, v1  }
0x82: {  	v7 =	vmul.f32 $1.428571410e+01, v7;
	v8 =	vmul.f32 $1.442695020e+00, v8  }
0x83: {  	(erf) = vpow2.f32 v1  }
0x84: {  	v1 =	vmul.f32 $1.442695020e+00, v7;
	(erf) = vpow2.f32 v8;
	_ =	sdelay $0x1  }
0x85: {  	(erf) = vpow2.f32 v1;
	_ =	sdelay $0x1  }
0x86: {  	v1 =	vpop (erf)  }
0x87: {  	v7 =	vpop (erf)  }
0x88: {  	v8 =	vpop (erf)  }
0x89: {  	v2 =	vadd.f32 v6, v2;
	v6 =	vpop (erf)  }
0x8a: {  	v1 =	vadd.f32 v1, v4;
	v4 =	vadd.f32 v7, v5;
	v5 =	vpop (erf)  }
0x8b: {  	v2 =	vadd.f32 v8, v2;
	v7 =	vpop (erf)  }
0x8c: {  	v1 =	vadd.f32 v5, v1;
	v4 =	vadd.f32 v7, v4  }
0x8d: {  	s25 =	sor.u32 s4, s26;
	p0 =	seq.s32 s24, $0xF;
	v5 =	vpop (erf)  }
0x8e: {  	s28 =	sadd.s32 @!p0 $0x2, s25;
	v2 =	vadd.f32 v5, v2;
	v1 =	vadd.f32 v4, v1  }
0x8f: {  	s29 =	sshrl.u32 @!p0 s28, $0x3  }
0x90: {  	s28 =	sshll.u32 @!p0 s28, $0x7;
	s30 =	smul.u32 @!p0 $0x62000, s29;
	v3 =	vadd.f32 v6, v3;
	v1 =	vadd.f32 v2, v1  }
0x91: {  	s28 =	sand.u32 @!p0 $0x300, s28  }
0x92: {  	s31 =	sshll.u32 s24, $0x8;
	s30 =	sor.u32 @!p0 s28, s30;
	v1 =	vadd.f32 v3, v1  }
0x93: {  	s31 =	sand.u32 $0x3FFFFF00, s31;
	s0 =	simm.s32 @!p0 $0x400;
	s30 =	sshrl.u32 @!p0 s30, $0x3  }
0x94: {  	s1 =	simm.s32 @!p0 $0x0;
	s30 =	sadd.s32 @!p0 s3, s30;
	[tilespmem:s31+$0x1A880] =	vst v1;
	s31 =	simm.s32 @!p0 $0x80  }
0x95: {  	[tilespmem:s1], [sflag:$0x1] =	stream.strided.gather @!p0 [hbm4b:s30+s31], $0xC400, s0, s31, $0x38;
	[tilespmem:$0x1B880] =	vst v63  }
0x96: {  	s1 =	sshll.u32 @!p0 s29, $0xF  }
0x97: {  	s1 =	sor.u32 @!p0 s28, s1  }
0x98: {  	s1 =	sshrl.u32 @!p0 s1, $0x3  }
0x99: {  	s28 =	simm.s32 @!p0 $0x18800;
	s1 =	sadd.s32 @!p0 s5, s1  }
0x9a: {  	[tilespmem:s28], [sflag:$0x1] =	stream.strided.gather @!p0 [hbm4b:s1+s31], $0x1000, s0, s31, $0x38;
	[tilespmem:$0x1B880] =	vst v63  }
0x9b: {  	s26 =	sor.u32 $0x1, s26;
	_ =	swait.ge [sflag:s21], $0xC400  }
0x9c: {  	v1 =	vmov s26;
	[sflag:s21] =	ssyncset.done $0x0  }
0x9d: {  	[sflag:s21] =	ssyncadd.s32 $0xFFFF3C00  }
0x9e: {  	_ =	swait.ge [sflag:s21], $0x1000  }
0x9f: {  	[sflag:s21] =	ssyncset.done $0x0  }
0xa0: {  	[sflag:s21] =	ssyncadd.s32 $0xFFFFF000  }
0xa1: {  	s1 =	simm.s32 $0x19820;
	v1 =	vld.idx.msk [tilespmem:v1+s13+$0x0], $0xffff  }
0xa2: {  	v2 =	vld [tilespmem:s1+$0x10]  }
0xa3: {  	v3 =	vld [tilespmem:s1+$0xFFFFFFF0]  }
0xa4: {  	v4 =	vld [tilespmem:s1+$0x0]  }
0xa5: {  	v5 =	vld [tilespmem:s1+$0xFFFFFFE0];
	_ =	sdelay $0x2  }
0xa6: {  	vm0 =	vge.s32 v2, v1;
	vm1 =	vge.s32 v3, v1  }
0xa7: {  	v6 =	vsel vm0, $0x1, v0;
	v7 =	vsel vm1, $0x1, v0  }
0xa8: {  	vm0 =	vge.s32 v4, v1;
	vm1 =	vge.s32 v5, v1;
	v6 =	vadd.s32 v6, v2  }
0xa9: {  	v2 =	vsel vm0, $0x1, v0;
	v9 =	vsel vm1, $0x1, v0;
	v3 =	vadd.s32 v7, v3  }
0xaa: {  	v8 =	vshrl.u32 v6, $0x1;
	v10 =	vand.u32 $0x3FF, v6;
	v5 =	vadd.s32 v9, v5  }
0xab: {  	v9 =	vshrl.u32 v3, $0x1;
	v4 =	vadd.s32 v2, v4;
	v8 =	vand.u32 $0x7FFFFC00, v8  }
0xac: {  	v7 =	vor.u32 v10, v8;
	v8 =	vshrl.u32 v5, $0x1;
	v10 =	vshrl.u32 v4, $0x1  }
0xad: {  	v2 =	vand.u32 $0x7FFFFC00, v8;
	v8 =	vand.u32 $0x7FFFFC00, v9;
	v9 =	vand.u32 $0x3FF, v5  }
0xae: {  	v2 =	vor.u32 v9, v2;
	v9 =	vand.u32 $0x7FFFFC00, v10;
	v10 =	vand.u32 $0x3FF, v4  }
0xaf: {  	v9 =	vor.u32 v10, v9;
	_ =	sdelay $0x1  }
0xb0: {  	v7 =	vld.idx.msk [tilespmem:v7+s18+$0x0], $0xffff;
	_ =	sdelay $0x1  }
0xb1: {  	v5 =	vand.u32 $0x400, v5;
	v10 =	vld.idx.msk [tilespmem:v2+s18+$0x0], $0xffff  }
0xb2: {  	vm2 =	veq.s32 v5, $0x0;
	v5 =	vand.u32 $0x400, v6;
	v6 =	vld.idx.msk [tilespmem:v9+s18+$0x0], $0xffff  }
0xb3: {  	s30 =	simm.s32 $0x19860;
	v11 =	vand.u32 $0x3FF, v3;
	v3 =	vand.u32 $0x400, v3;
	v4 =	vand.u32 $0x400, v4  }
0xb4: {  	vm0 =	veq.s32 v5, $0x0;
	v9 =	vld [tilespmem:s30+$0x10];
	v5 =	vand.u32 $0xFFFF0000, v7;
	v7 =	vshll.u32 v7, $0x10  }
0xb5: {  	v8 =	vor.u32 v11, v8;
	vm1 =	veq.s32 v4, $0x0;
	v5 =	vsel vm0, v7, v5;
	v7 =	vld [tilespmem:s30+$0xFFFFFFF0]  }
0xb6: {  	v4 =	vld [tilespmem:s30+$0x0];
	vm1 =	vmmov vm1;
	vm0 =	veq.s32 v3, $0x0;
	v3 =	vmul.f32 $1.428571410e+01, v5  }
0xb7: {  	v5 =	vld [tilespmem:s30+$0xFFFFFFE0];
	v11 =	vand.u32 $0xFFFF0000, v10;
	v12 =	vand.u32 $0xFFFF0000, v6;
	v6 =	vshll.u32 v6, $0x10  }
0xb8: {  	v10 =	vshll.u32 v10, $0x10;
	v3 =	vmul.f32 $1.442695020e+00, v3;
	v6 =	vsel vm1, v6, v12  }
0xb9: {  	v10 =	vsel vm2, v10, v11;
	vm2 =	vge.s32 v9, v1;
	v6 =	vmul.f32 $1.428571410e+01, v6  }
0xba: {  	(erf) = vpow2.f32 v3;
	vm3 =	vge.s32 v7, v1;
	v3 =	vsel vm2, $0x1, v0  }
0xbb: {  	vm2 =	vge.s32 v4, v1;
	v13 =	vsel vm3, $0x1, v0;
	v3 =	vadd.s32 v3, v9  }
0xbc: {  	vm3 =	vge.s32 v5, v1;
	v9 =	vsel vm2, $0x1, v0;
	v14 =	vshrl.u32 v3, $0x1  }
0xbd: {  	v15 =	vsel vm3, $0x1, v0;
	v16 =	vand.u32 $0x3FF, v3;
	v7 =	vadd.s32 v13, v7  }
0xbe: {  	v8 =	vld.idx.msk [tilespmem:v8+s18+$0x0], $0xffff;
	v4 =	vadd.s32 v9, v4;
	v14 =	vand.u32 $0x7FFFFC00, v14;
	v5 =	vadd.s32 v15, v5  }
0xbf: {  	v15 =	vshrl.u32 v7, $0x1;
	v13 =	vor.u32 v16, v14;
	v14 =	vshrl.u32 v5, $0x1  }
0xc0: {  	v9 =	vand.u32 $0x7FFFFC00, v14;
	v14 =	vand.u32 $0x7FFFFC00, v15;
	v15 =	vand.u32 $0x3FF, v5  }
0xc1: {  	v56 =	vshrl.u32 v4, $0x1;
	v17 =	vand.u32 $0x3FF, v7;
	v9 =	vor.u32 v15, v9  }
0xc2: {  	v57 =	vand.u32 $0x3FF, v4;
	v15 =	vand.u32 $0x7FFFFC00, v56;
	v14 =	vor.u32 v17, v14  }
0xc3: {  	v2 =	vimm.f32 $0.0e+00;
	v11 =	vand.u32 $0xFFFF0000, v8;
	v15 =	vor.u32 v57, v15  }
0xc4: {  	v8 =	vshll.u32 v8, $0x10;
	v6 =	vmul.f32 $1.442695020e+00, v6;
	v5 =	vand.u32 $0x400, v5;
	v13 =	vld.idx.msk [tilespmem:v13+s18+$0x0], $0xffff  }
0xc5: {  	vm3 =	veq.s32 v5, $0x0;
	v5 =	vsel vm0, v8, v11;
	v8 =	vmul.f32 $1.428571410e+01, v10  }
0xc6: {  	v3 =	vand.u32 $0x400, v3;
	v7 =	vand.u32 $0x400, v7;
	v5 =	vmul.f32 $1.428571410e+01, v5;
	v9 =	vld.idx.msk [tilespmem:v9+s18+$0x0], $0xffff  }
0xc7: {  	v4 =	vand.u32 $0x400, v4;
	vm2 =	veq.s32 v7, $0x0;
	v8 =	vmul.f32 $1.442695020e+00, v8;
	v58 =	vpop (erf);
	v10 =	vld.idx.msk [tilespmem:v14+s18+$0x0], $0xffff  }
0xc8: {  	s31 =	simm.s32 $0x198A0;
	vm0 =	veq.s32 v3, $0x0;
	v5 =	vmul.f32 $1.442695020e+00, v5;
	v59 =	vadd.f32 v58, v2;
	v11 =	vld.idx.msk [tilespmem:v15+s18+$0x0], $0xffff  }
0xc9: {  	(erf) = vpow2.f32 v8;
	v3 =	vand.u32 $0xFFFF0000, v13;
	v12 =	vshll.u32 v13, $0x10;
	v13 =	vld [tilespmem:s31+$0x10]  }
0xca: {  	(erf) = vpow2.f32 v5;
	v3 =	vsel vm0, v12, v3;
	vm0 =	veq.s32 v4, $0x0;
	v4 =	vld [tilespmem:s31+$0xFFFFFFF0]  }
0xcb: {  	v5 =	vld [tilespmem:s31+$0x0];
	(erf) = vpow2.f32 v6;
	v3 =	vmul.f32 $1.428571410e+01, v3;
	vm4 =	vmmov vm0  }
0xcc: {  	v6 =	vld [tilespmem:s31+$0xFFFFFFE0];
	v7 =	vand.u32 $0xFFFF0000, v9;
	v8 =	vshll.u32 v9, $0x10;
	v9 =	vshll.u32 v10, $0x10  }
0xcd: {  	v7 =	vsel vm3, v8, v7;
	v8 =	vand.u32 $0xFFFF0000, v10;
	v3 =	vmul.f32 $1.442695020e+00, v3  }
0xce: {  	v10 =	vand.u32 $0xFFFF0000, v11;
	v11 =	vshll.u32 v11, $0x10;
	v7 =	vmul.f32 $1.428571410e+01, v7  }
0xcf: {  	vm0 =	vge.s32 v13, v1;
	(erf) = vpow2.f32 v3;
	vm1 =	vge.s32 v4, v1  }
0xd0: {  	v3 =	vsel vm0, $0x1, v0;
	vm0 =	vge.s32 v5, v1;
	v12 =	vsel vm1, $0x1, v0  }
0xd1: {  	v13 =	vadd.s32 v3, v13;
	vm1 =	vge.s32 v6, v1;
	v3 =	vsel vm0, $0x1, v0  }
0xd2: {  	v14 =	vshrl.u32 v13, $0x1;
	v15 =	vsel vm1, $0x1, v0;
	v60 =	vand.u32 $0x3FF, v13  }
0xd3: {  	v4 =	vadd.s32 v12, v4;
	v5 =	vadd.s32 v3, v5;
	v14 =	vand.u32 $0x7FFFFC00, v14  }
0xd4: {  	v13 =	vand.u32 $0x400, v13;
	v15 =	vadd.s32 v15, v6;
	v12 =	vor.u32 v60, v14  }
0xd5: {  	v61 =	vshrl.u32 v4, $0x1;
	v19 =	vshrl.u32 v5, $0x1;
	v21 =	vand.u32 $0x3FF, v4  }
0xd6: {  	v4 =	vand.u32 $0x400, v4;
	v6 =	vshrl.u32 v15, $0x1;
	v17 =	vand.u32 $0x7FFFFC00, v61  }
0xd7: {  	v20 =	vand.u32 $0x3FF, v15;
	v3 =	vand.u32 $0x7FFFFC00, v6;
	v17 =	vor.u32 v21, v17  }
0xd8: {  	v19 =	vand.u32 $0x7FFFFC00, v19;
	v20 =	vor.u32 v20, v3;
	v3 =	vand.u32 $0x3FF, v5  }
0xd9: {  	v15 =	vand.u32 $0x400, v15;
	vm0 =	veq.s32 v4, $0x0;
	v19 =	vor.u32 v3, v19;
	v63 =	vld.idx.msk [tilespmem:v12+s18+$0x0], $0xffff  }
0xda: {  	v4 =	vsel vm2, v9, v8;
	vm2 =	veq.s32 v13, $0x0;
	vm1 =	veq.s32 v15, $0x0;
	v14 =	vpop (erf)  }
0xdb: {  	v15 =	vmul.f32 $1.428571410e+01, v4;
	v4 =	vsel vm4, v11, v10;
	v5 =	vand.u32 $0x400, v5;
	v18 =	vpop (erf)  }
0xdc: {  	v10 =	vmul.f32 $1.428571410e+01, v4;
	vm3 =	veq.s32 v5, $0x0;
	v4 =	vadd.f32 v14, v2;
	v6 =	vpop (erf);
	v9 =	vld.idx.msk [tilespmem:v17+s18+$0x0], $0xffff  }
0xdd: {  	v11 =	vmul.f32 $1.442695020e+00, v15;
	v5 =	vadd.f32 v18, v2;
	v62 =	vpop (erf);
	v12 =	vmul.f32 $1.442695020e+00, v7;
	v8 =	vld.idx.msk [tilespmem:v20+s18+$0x0], $0xffff  }
0xde: {  	s29 =	simm.s32 $0x198E0;
	s28 =	simm.s32 $0x8;
	v3 =	vadd.f32 v62, v59;
	v7 =	vld.idx.msk [tilespmem:v19+s18+$0x0], $0xffff;
	v13 =	vand.u32 $0xFFFF0000, v63;
	v14 =	vshll.u32 v63, $0x10  }
.LBB2_5:
0xdf: {  	v15 =	vld [tilespmem:s29+$0x10];
	s28 =	sadd.s32 $0x4, s28;
	v13 =	vsel vm2, v14, v13;
	v10 =	vmul.f32 $1.442695020e+00, v10;
	(erf) = vpow2.f32 v12  }
0xe0: {  	v2 =	vadd.f32 v6, v2;
	v12 =	vld [tilespmem:s29+$0xFFFFFFF0];
	p1 =	slt.u32 s28, $0xFC;
	v13 =	vmul.f32 $1.428571410e+01, v13;
	(erf) = vpow2.f32 v11  }
0xe1: {  	vm2 =	vmmov vm3;
	v6 =	vld [tilespmem:s29+$0x0];
	(erf) = vpow2.f32 v10  }
0xe2: {  	v11 =	vand.u32 $0xFFFF0000, v8;
	v8 =	vshll.u32 v8, $0x10;
	v10 =	vld [tilespmem:s29+$0xFFFFFFE0];
	v13 =	vmul.f32 $1.442695020e+00, v13  }
0xe3: {  	v8 =	vsel vm1, v8, v11;
	v11 =	vand.u32 $0xFFFF0000, v9;
	v9 =	vshll.u32 v9, $0x10  }
0xe4: {  	v14 =	vand.u32 $0xFFFF0000, v7;
	vm1 =	vge.s32 v15, v1;
	(erf) = vpow2.f32 v13  }
0xe5: {  	v7 =	vshll.u32 v7, $0x10;
	vm3 =	vge.s32 v12, v1;
	v13 =	vsel vm1, $0x1, v0  }
0xe6: {  	v16 =	vsel vm3, $0x1, v0;
	vm1 =	vge.s32 v6, v1;
	v13 =	vadd.s32 v13, v15  }
0xe7: {  	vm3 =	vge.s32 v10, v1;
	v15 =	vsel vm1, $0x1, v0;
	v22 =	vshrl.u32 v13, $0x1  }
0xe8: {  	v19 =	vand.u32 $0x3FF, v13;
	v18 =	vsel vm3, $0x1, v0;
	v21 =	vand.u32 $0x7FFFFC00, v22;
	v20 =	vpop (erf)  }
0xe9: {  	v12 =	vadd.s32 v16, v12;
	v10 =	vadd.s32 v18, v10;
	v16 =	vor.u32 v19, v21;
	v17 =	vpop (erf)  }
0xea: {  	v15 =	vadd.s32 v15, v6;
	v19 =	vshrl.u32 v12, $0x1;
	v18 =	vshrl.u32 v10, $0x1;
	v6 =	vpop (erf)  }
0xeb: {  	v21 =	vshrl.u32 v15, $0x1;
	v19 =	vand.u32 $0x7FFFFC00, v19;
	v18 =	vand.u32 $0x7FFFFC00, v18  }
0xec: {  	v24 =	vand.u32 $0x3FF, v12;
	v22 =	vand.u32 $0x3FF, v10;
	v21 =	vand.u32 $0x7FFFFC00, v21  }
0xed: {  	v19 =	vor.u32 v24, v19;
	v18 =	vor.u32 v22, v18;
	v22 =	vand.u32 $0x3FF, v15;
	v23 =	vpop (erf)  }
0xee: {  	v10 =	vand.u32 $0x400, v10;
	v21 =	vor.u32 v22, v21;
	v16 =	vld.idx.msk [tilespmem:v16+s18+$0x0], $0xffff;
	v3 =	vadd.f32 v23, v3  }
0xef: {  	vm1 =	veq.s32 v10, $0x0;
	v10 =	vand.u32 $0x400, v12;
	v12 =	vand.u32 $0x400, v15  }
.Ltmp3:
0xf0: {  	v9 =	vsel vm0, v9, v11;
	vm3 =	veq.s32 v12, $0x0;
	vm0 =	veq.s32 v10, $0x0;
	(pc) =	sbr.rel @p1 .LBB2_5-.Ltmp3, $4  }
0xf1: {  	v11 =	vmul.f32 $1.428571410e+01, v8;
	v7 =	vsel vm2, v7, v14;
	v15 =	vmul.f32 $1.428571410e+01, v9  }
0xf2: {  	v4 =	vadd.f32 v20, v4;
	v5 =	vadd.f32 v17, v5;
	v10 =	vmul.f32 $1.428571410e+01, v7;
	v8 =	vld.idx.msk [tilespmem:v18+s18+$0x0], $0xffff  }
0xf3: {  	v13 =	vand.u32 $0x400, v13;
	v12 =	vmul.f32 $1.442695020e+00, v11;
	v11 =	vmul.f32 $1.442695020e+00, v15;
	v9 =	vld.idx.msk [tilespmem:v19+s18+$0x0], $0xffff  }
0xf4: {  	s29 =	sadd.s32 $0x40, s29;
	vm2 =	veq.s32 v13, $0x0;
	v13 =	vand.u32 $0xFFFF0000, v16;
	v14 =	vshll.u32 v16, $0x10;
	v7 =	vld.idx.msk [tilespmem:v21+s18+$0x0], $0xffff  }
0xf5: {  	v1 =	vmul.f32 $1.442695020e+00, v10;
	(erf) = vpow2.f32 v12;
	v51 =	vsel vm2, v14, v13  }
0xf6: {  	vm15 =	vmmov vm3;
	(erf) = vpow2.f32 v11;
	v10 =	vmul.f32 $1.428571410e+01, v51  }
0xf7: {  	(erf) = vpow2.f32 v1;
	v1 =	vand.u32 $0xFFFF0000, v8;
	v52 =	vshll.u32 v8, $0x10  }
0xf8: {  	v1 =	vsel vm1, v52, v1;
	v53 =	vand.u32 $0xFFFF0000, v9;
	v54 =	vshll.u32 v9, $0x10  }
0xf9: {  	v10 =	vmul.f32 $1.442695020e+00, v10;
	v8 =	vsel vm0, v54, v53;
	v1 =	vmul.f32 $1.428571410e+01, v1  }
0xfa: {  	v55 =	vand.u32 $0xFFFF0000, v7;
	v56 =	vshll.u32 v7, $0x10;
	v8 =	vmul.f32 $1.428571410e+01, v8  }
0xfb: {  	(erf) = vpow2.f32 v10;
	v7 =	vsel vm15, v56, v55;
	v1 =	vmul.f32 $1.442695020e+00, v1  }
0xfc: {  	v7 =	vmul.f32 $1.428571410e+01, v7;
	v8 =	vmul.f32 $1.442695020e+00, v8  }
0xfd: {  	(erf) = vpow2.f32 v1  }
0xfe: {  	v1 =	vmul.f32 $1.442695020e+00, v7;
	(erf) = vpow2.f32 v8;
	_ =	sdelay $0x1  }
0xff: {  	(erf) = vpow2.f32 v1;
	_ =	sdelay $0x1  }
0x100: {  	v1 =	vpop (erf)  }
0x101: {  	v57 =	vpop (erf)  }
0x102: {  	v58 =	vpop (erf)  }
0x103: {  	v2 =	vadd.f32 v6, v2;
	v59 =	vpop (erf)  }
0x104: {  	v1 =	vadd.f32 v1, v4;
	v60 =	vadd.f32 v57, v5;
	v61 =	vpop (erf)  }
0x105: {  	v2 =	vadd.f32 v58, v2;
	v62 =	vpop (erf)  }
0x106: {  	v1 =	vadd.f32 v61, v1;
	v4 =	vadd.f32 v62, v60  }
0x107: {  	v63 =	vpop (erf)  }
0x108: {  	v2 =	vadd.f32 v63, v2;
	v1 =	vadd.f32 v4, v1;
	_ =	sdelay $0x1  }
.Ltmp4:
0x109: {  	v3 =	vadd.f32 v59, v3;
	v1 =	vadd.f32 v2, v1;
	(pc) =	sbr.rel @p0 .LBB2_8-.Ltmp4, $4  }
0x10a: {  	_ = 	snop  }
0x10b: {  	s0 =	sshll.u32 s26, $0x7;
	v1 =	vadd.f32 v3, v1  }
0x10c: {  	s0 =	sand.u32 $0x3FFFFF80, s0  }
0x10d: {  	[tilespmem:s0+$0x1A880] =	vst v1  }
0x10e: {  	s0 =	sadd.s32 $0x3, s25  }
0x10f: {  	s1 =	sshrl.u32 s0, $0x3  }
0x110: {  	s0 =	sshll.u32 s0, $0x7;
	s31 =	smul.u32 $0x62000, s1  }
0x111: {  	s0 =	sand.u32 $0x380, s0  }
0x112: {  	s1 =	sshll.u32 s1, $0xF;
	s25 =	sor.u32 s0, s31  }
.Ltmp5:
0x113: {  	s0 =	sor.u32 s0, s1;
	s25 =	sshrl.u32 s25, $0x3;
	(pc) =	sbr.rel .LBB2_2-.Ltmp5, $4  }
0x114: {  	s0 =	sshrl.u32 s0, $0x3;
	s25 =	sadd.s32 s3, s25  }
0x115: {  	[tilespmem:s18], [sflag:$0x2] =	stream.strided.gather [hbm4b:s25+s15], $0xC400, s16, s15, $0x38;
	[tilespmem:$0x1B880] =	vst v63  }
0x116: {  	s24 =	sadd.s32 $0x1, s24;
	s0 =	sadd.s32 s5, s0  }
0x117: {  	[tilespmem:s19], [sflag:$0x2] =	stream.strided.gather [hbm4b:s0+s15], $0x1000, s16, s15, $0x38;
	[tilespmem:$0x1B880] =	vst v63  }
.LBB2_9:
0x118: {  	_ =	sfence.sel $0x180000  }
0x119: {  	[bflag:$0x0] =	sbarrier.arrive $0xFFFF  }
0x11a: {  	_ =	strace $0x90000047  }
0x11b: {  	s0 =	stileid.u32;
	[bflag:$0x2] =	sbarrier.arrive $0xFFFF  }
0x11c: {  	p0 =	sne.s32 s0, $0x0;
	s0 =	rddreg [dreg:$0x2]  }
0x11d: {  	s0 =	sadd.s32 @!p0 $0x100000, s0  }
0x11e: {  	[sflag:s0] =	ssyncadd.tile.s32 @!p0 $0x1;
	_ =	shalt  }
.Lfunc_end2:
_tile_overlayer_lowered:
.L_overlay_start_2:
0x11f: {  	(tag) =	ssettag $0x2  }
0x120: {  	s0 =	rddreg [dreg:$0x0];
	s2 =	stileid.u32  }
0x121: {  	s1 =	rddreg [dreg:$0x1];
	p0 =	sne.s32 s2, $0x0  }
0x122: {  	s3 =	rddreg [dreg:$0x2];
	[bflag:$0x3] =	sbarrier.arrive $0xFFFF;
	s2 =	simm.s32 @!p0 $0x1C03  }
0x123: {  	[timem:s3], [sflag:s2] =	dma.local @!p0 [hbm:s0], s1  }
0x124: {  	s0 =	simm.s32 @!p0 $0x3  }
0x125: {  	_ =	swait.ge @!p0 [sflag:s0], s1  }
0x126: {  	s1 =	ssub.s32 @!p0 $0x0, s1;
	[sflag:s0] =	ssyncset.done @!p0 $0x0  }
0x127: {  	[sflag:s0] =	ssyncadd.s32 @!p0 s1  }
0x128: {  	[bflag:$0x3] =	sbarrier.arrive $0xFFFF  }
0x129: {  	_ =	shalt  }

</sc_bundles>
